<compile_context>
chip_gen: v7x
topology: tpu7x:2x2x1
jax: 0.10.2.dev20260603
libtpu: 0.0.44.dev20260713+nightly
codegen_flags: <defaults>
</compile_context>

<pallas_src>
import functools

import jax
import jax.numpy as jnp
from jax import lax
from jax.experimental import pallas as pl
from jax.experimental.pallas import tpu as pltpu
from jax.experimental.pallas import tpu_sc as plsc

N = 10000
E = 320000
D = 128
BN = 64

NS = 16
BATCH = 128
NB_A = -(-E // (NS * BATCH))
NB_C = -(-(E // 2) // (NS * BATCH))
NPAD = 10240
DUMMY = 10016
ZROW = NPAD // NS
RB = 1000


def _deg_body(idx_hbm, ones_hbm, zeros_hbm, deg_out, idx_v, ones_v, z_v, deg_sp):
    c = lax.axis_index("c")
    s = lax.axis_index("s")
    pltpu.sync_copy(ones_hbm, ones_v)
    pltpu.sync_copy(zeros_hbm, z_v)
    pltpu.sync_copy(idx_hbm.at[c, s], idx_v)
    pltpu.sync_copy(z_v, deg_sp.at[pl.ds(s * ZROW, ZROW)])
    plsc.subcore_barrier()

    def body(b, carry):
        pltpu.sync_copy(ones_v, deg_sp.at[idx_v.at[b]], add=True)
        return carry

    lax.fori_loop(0, NB_A, body, 0)
    plsc.subcore_barrier()
    pltpu.sync_copy(deg_sp.at[pl.ds(s * ZROW, ZROW)], z_v)
    pltpu.sync_copy(z_v, deg_out.at[c, pl.ds(s * ZROW, ZROW)])


_deg_kernel = functools.partial(
    pl.kernel,
    out_type=jax.ShapeDtypeStruct((2, NPAD), jnp.float32),
    mesh=plsc.VectorSubcoreMesh(core_axis_name="c", subcore_axis_name="s"),
    scratch_types=[
        pltpu.VMEM((NB_A, BATCH), jnp.int32),
        pltpu.VMEM((BATCH,), jnp.float32),
        pltpu.VMEM((ZROW,), jnp.float32),
        pltpu.VMEM_SHARED((NPAD,), jnp.float32),
    ],
)(_deg_body)


def _agg_body(h_hbm, src_hbm, dst_hbm, zeros_hbm, out_hbm,
              src_v, dst_v, rows0_v, agg_sp, semg):
    c = lax.axis_index("c")
    s = lax.axis_index("s")
    pltpu.sync_copy(src_hbm.at[c, s], src_v)
    pltpu.sync_copy(dst_hbm.at[c, s], dst_v)
    pltpu.sync_copy(zeros_hbm, rows0_v)
    for k in range(ZROW // BATCH):
        pltpu.sync_copy(rows0_v, agg_sp.at[pl.ds(s * ZROW + k * BATCH, BATCH)])
    plsc.subcore_barrier()

    def body(b, carry):
        pltpu.async_copy(h_hbm.at[src_v.at[b]], rows0_v, semg).wait()
        pltpu.sync_copy(rows0_v, agg_sp.at[dst_v.at[b]], add=True)
        return carry

    lax.fori_loop(0, NB_C, body, 0)
    plsc.subcore_barrier()
    for k in range(ZROW // BATCH):
        r0 = s * ZROW + k * BATCH
        pltpu.sync_copy(agg_sp.at[pl.ds(r0, BATCH)], rows0_v)
        pltpu.sync_copy(rows0_v, out_hbm.at[c, pl.ds(r0, BATCH), :])


_agg_kernel = functools.partial(
    pl.kernel,
    out_type=jax.ShapeDtypeStruct((2, NPAD, D), jnp.float32),
    mesh=plsc.VectorSubcoreMesh(core_axis_name="c", subcore_axis_name="s"),
    scratch_types=[
        pltpu.VMEM((NB_C, BATCH), jnp.int32),
        pltpu.VMEM((NB_C, BATCH), jnp.int32),
        pltpu.VMEM((BATCH, D), jnp.float32),
        pltpu.VMEM_SHARED((NPAD, D), jnp.float32),
        pltpu.SemaphoreType.DMA,
    ],
)(_agg_body)


def _norm_from_deg(deg_col):
    return jnp.where(deg_col > 0, lax.rsqrt(jnp.maximum(deg_col, 1e-12)), 0.0)


def _h_body(feat_ref, w_ref, deg_ref, h_ref):
    norm = _norm_from_deg(deg_ref[:, 0:1])
    h_ref[...] = jnp.dot(feat_ref[...] * norm, w_ref[...],
                         preferred_element_type=jnp.float32)


def _h_kernel(feat, w_gnn, deg_src):
    return pl.pallas_call(
        _h_body,
        grid=(N // RB,),
        in_specs=[
            pl.BlockSpec((RB, D), lambda i: (i, 0)),
            pl.BlockSpec((D, D), lambda i: (0, 0)),
            pl.BlockSpec((RB, 2), lambda i: (i, 0)),
        ],
        out_specs=pl.BlockSpec((RB, D), lambda i: (i, 0)),
        out_shape=jax.ShapeDtypeStruct((N, D), jnp.float32),
    )(feat, w_gnn, deg_src)


def _adapter_body(agg_ref, deg_ref, bg_ref, wd_ref, bd_ref, wu_ref, bu_ref,
                  y_ref):
    agg = agg_ref[0] + agg_ref[1]
    norm = _norm_from_deg(deg_ref[:, 1:2])
    out = agg * norm + bg_ref[0:1, :]
    a = jnp.dot(out, wd_ref[...], preferred_element_type=jnp.float32)
    a = jax.nn.gelu(a + bd_ref[0:1, :])
    a = jnp.dot(a, wu_ref[...], preferred_element_type=jnp.float32)
    y_ref[...] = a + bu_ref[0:1, :] + out


def _adapter_kernel(agg2, deg_dst, b_gnn, w_down, b_down, w_up, b_up):
    return pl.pallas_call(
        _adapter_body,
        grid=(N // RB,),
        in_specs=[
            pl.BlockSpec((2, RB, D), lambda i: (0, i, 0)),
            pl.BlockSpec((RB, 2), lambda i: (i, 0)),
            pl.BlockSpec((8, D), lambda i: (0, 0)),
            pl.BlockSpec((D, BN), lambda i: (0, 0)),
            pl.BlockSpec((8, BN), lambda i: (0, 0)),
            pl.BlockSpec((BN, D), lambda i: (0, 0)),
            pl.BlockSpec((8, D), lambda i: (0, 0)),
        ],
        out_specs=pl.BlockSpec((RB, D), lambda i: (i, 0)),
        out_shape=jax.ShapeDtypeStruct((N, D), jnp.float32),
    )(agg2, deg_dst, b_gnn, w_down, b_down, w_up, b_up)


def _pad_tiles(x, nb, fill):
    padn = NS * nb * BATCH - x.shape[0]
    return jnp.concatenate(
        [x, jnp.full((padn,), fill, jnp.int32)]).reshape(NS, nb, BATCH)


def kernel(feat, edge_index, W_gnn, b_gnn, W_down, b_down, W_up, b_up):
    src = edge_index[0].astype(jnp.int32)
    dst = edge_index[1].astype(jnp.int32)

    deg_idx = jnp.stack([_pad_tiles(src, NB_A, DUMMY),
                         _pad_tiles(dst, NB_A, DUMMY)])

    half = E // 2
    src_c = jnp.stack([_pad_tiles(src[:half], NB_C, 0),
                       _pad_tiles(src[half:], NB_C, 0)])
    dst_c = jnp.stack([_pad_tiles(dst[:half], NB_C, DUMMY),
                       _pad_tiles(dst[half:], NB_C, DUMMY)])

    ones1 = jnp.ones((BATCH,), jnp.float32)
    zeros1 = jnp.zeros((ZROW,), jnp.float32)
    zrows = jnp.zeros((BATCH, D), jnp.float32)

    degs = _deg_kernel(deg_idx, ones1, zeros1)
    degs_t = jnp.transpose(degs)

    h = _h_kernel(feat, W_gnn, degs_t)

    agg2 = _agg_kernel(h, src_c, dst_c, zrows)[:, :N, :]

    y = _adapter_kernel(
        agg2, degs_t,
        jnp.broadcast_to(b_gnn, (8, D)),
        W_down,
        jnp.broadcast_to(b_down, (8, BN)),
        W_up,
        jnp.broadcast_to(b_up, (8, D)),
    )
    return y

# --- scband reference (transcript-rebuilt; emitter-appended) ---
"""Pipeline reference for scband-graph-conv-adapter-2929167695958 (READ-ONLY COPY).

The authoritative reference and input builder live on the scoring server;
editing this copy changes nothing except your own understanding.
"""

import jax, jax.numpy as jnp
import numpy as np

N = 10000
E = 320000
D = 128
BNECK = 64


def setup_inputs(seed: int = 0) -> dict:
    key = jax.random.key(seed)
    ks = jax.random.split(key, 8)
    feat = jax.random.normal(ks[0], (N, D), dtype=jnp.float32)
    edge_index = jax.random.randint(ks[1], (2, E), 0, N)
    # frozen GNN layer (DGL GraphConv-style) parameters
    W_gnn = jax.random.normal(ks[2], (D, D), dtype=jnp.float32) * (1.0 / np.sqrt(D))
    b_gnn = jnp.zeros((D,), dtype=jnp.float32)
    # adapter parameters (init per reset_parameters: std=0.01, up bias=0)
    W_down = jax.random.normal(ks[3], (D, BNECK), dtype=jnp.float32) * 0.01
    b_down = jnp.zeros((BNECK,), dtype=jnp.float32)
    W_up = jax.random.normal(ks[4], (BNECK, D), dtype=jnp.float32) * 0.01
    b_up = jnp.zeros((D,), dtype=jnp.float32)
    return {
        "feat": feat,
        "edge_index": edge_index,
        "W_gnn": W_gnn,
        "b_gnn": b_gnn,
        "W_down": W_down,
        "b_down": b_down,
        "W_up": W_up,
        "b_up": b_up,
    }


def _graph_conv(feat, edge_index, W_gnn, b_gnn):
    # DGL GraphConv with norm='both': D_out^{-1/2} applied at src, D_in^{-1/2} at dst
    src = edge_index[0]
    dst = edge_index[1]
    n = feat.shape[0]
    ones = jnp.ones((src.shape[0],), dtype=feat.dtype)
    out_deg = jnp.zeros((n,), dtype=feat.dtype).at[src].add(ones)
    in_deg = jnp.zeros((n,), dtype=feat.dtype).at[dst].add(ones)
    norm_src = jnp.where(out_deg > 0, jax.lax.rsqrt(jnp.maximum(out_deg, 1e-12)), 0.0)
    norm_dst = jnp.where(in_deg > 0, jax.lax.rsqrt(jnp.maximum(in_deg, 1e-12)), 0.0)
    h = feat * norm_src[:, None]
    h = h @ W_gnn
    msg = jnp.take(h, src, axis=0)
    agg = jnp.zeros((n, h.shape[1]), dtype=feat.dtype).at[dst].add(msg)
    agg = agg * norm_dst[:, None]
    return agg + b_gnn


def reference(feat, edge_index, W_gnn, b_gnn, W_down, b_down, W_up, b_up):
    # frozen GNN layer
    out = _graph_conv(feat, edge_index, W_gnn, b_gnn)
    # AdapterLayer: bottleneck MLP with gelu + skip connection
    residual = out
    a = out @ W_down + b_down
    a = jax.nn.gelu(a)
    a = a @ W_up + b_up
    return a + residual

if __name__ == "__main__":
    import jax
    _d = setup_inputs()
    print(jax.jit(kernel)(*tuple(_d.values())))

</pallas_src>

<mosaic_0001>
#map = affine_map<(d0, d1) -> (0, 0)>
#map1 = affine_map<(d0, d1) -> (0, 0, 0, 0)>
#map2 = affine_map<(d0, d1) -> (0, 0, 0)>
module attributes {stable_mosaic.version = 14 : i64} {
  func.func @_agg_body(%arg0: i32, %arg1: i32, %arg2: memref<10000x128xf32, #tpu.memory_space<hbm>>, %arg3: memref<2x16x79x128xi32, #tpu.memory_space<hbm>>, %arg4: memref<2x16x79x128xi32, #tpu.memory_space<hbm>>, %arg5: memref<128x128xf32, #tpu.memory_space<hbm>>, %arg6: memref<2x10240x128xf32, #tpu.memory_space<hbm>>, %arg7: memref<79x128xi32, #tpu.memory_space<vmem>>, %arg8: memref<79x128xi32, #tpu.memory_space<vmem>>, %arg9: memref<128x128xf32, #tpu.memory_space<vmem>>, %arg10: memref<10240x128xf32, #tpu.memory_space<vmem_shared>>, %arg11: memref<!tpu.dma_semaphore, #tpu.memory_space<semaphore_mem>>) attributes {dimension_semantics = [#tpu.dimension_semantics<core_parallel>, #tpu.dimension_semantics<subcore_parallel>], iteration_bounds = array<i64: 2, 16>, scalar_prefetch = 0 : i64, scratch_operands = 5 : i64, tpu.core_type = #tpu.core_type<sc_vector_subcore>, window_params = [{transform_indices = #map}, {transform_indices = #map1}, {transform_indices = #map1}, {transform_indices = #map}, {transform_indices = #map2}]} {
    "tpu.region"() ({
      %run_scoped3A = tpu.sem_alloc : memref<!tpu.dma_semaphore, #tpu.memory_space<semaphore_mem>>
      %dma_start3A = arith.constant 0 : i32
      %dma_start3A_44 = arith.constant 0 : i32
      %dma_start3A_45 = tpu.memref_slice %arg3[%arg0, %arg1, %dma_start3A, %dma_start3A_44] : memref<2x16x79x128xi32, #tpu.memory_space<hbm>> -> memref<1x1x79x128xi32, #tpu.memory_space<hbm>>
      %dma_start3A_46 = tpu.memref_squeeze %dma_start3A_45 : memref<1x1x79x128xi32, #tpu.memory_space<hbm>> -> memref<79x128xi32, #tpu.memory_space<hbm>>
      %dma_start3A_47 = arith.constant 0 : i32
      %dma_start3A_48 = arith.constant 0 : i32
      %dma_start3A_49 = tpu.memref_slice %arg3[%arg0, %arg1, %dma_start3A_47, %dma_start3A_48] : memref<2x16x79x128xi32, #tpu.memory_space<hbm>> -> memref<1x1x79x128xi32, #tpu.memory_space<hbm>>
      %dma_start3A_50 = tpu.memref_squeeze %dma_start3A_49 : memref<1x1x79x128xi32, #tpu.memory_space<hbm>> -> memref<79x128xi32, #tpu.memory_space<hbm>>
      tpu.enqueue_dma source(%dma_start3A_50 : memref<79x128xi32, #tpu.memory_space<hbm>>) target(%arg7 : memref<79x128xi32, #tpu.memory_space<vmem>>) target_semaphore(%run_scoped3A : memref<!tpu.dma_semaphore, #tpu.memory_space<semaphore_mem>>)
      %dma_wait3A = arith.constant 0 : i32
      %dma_wait3A_51 = arith.constant 0 : i32
      %dma_wait3A_52 = tpu.memref_slice %arg3[%arg0, %arg1, %dma_wait3A, %dma_wait3A_51] : memref<2x16x79x128xi32, #tpu.memory_space<hbm>> -> memref<1x1x79x128xi32, #tpu.memory_space<hbm>>
      %dma_wait3A_53 = tpu.memref_squeeze %dma_wait3A_52 : memref<1x1x79x128xi32, #tpu.memory_space<hbm>> -> memref<79x128xi32, #tpu.memory_space<hbm>>
      %dma_wait3A_54 = arith.constant 0 : i32
      %dma_wait3A_55 = arith.constant 0 : i32
      %dma_wait3A_56 = tpu.memref_slice %arg3[%arg0, %arg1, %dma_wait3A_54, %dma_wait3A_55] : memref<2x16x79x128xi32, #tpu.memory_space<hbm>> -> memref<1x1x79x128xi32, #tpu.memory_space<hbm>>
      %dma_wait3A_57 = tpu.memref_squeeze %dma_wait3A_56 : memref<1x1x79x128xi32, #tpu.memory_space<hbm>> -> memref<79x128xi32, #tpu.memory_space<hbm>>
      tpu.wait_dma2 semaphore(%run_scoped3A : memref<!tpu.dma_semaphore, #tpu.memory_space<semaphore_mem>>) src(%dma_wait3A_57 : memref<79x128xi32, #tpu.memory_space<hbm>>) dst(%arg7 : memref<79x128xi32, #tpu.memory_space<vmem>>)
      tpu.yield
    }) : () -> ()
    "tpu.region"() ({
      %run_scoped3A = tpu.sem_alloc : memref<!tpu.dma_semaphore, #tpu.memory_space<semaphore_mem>>
      %dma_start3A = arith.constant 0 : i32
      %dma_start3A_44 = arith.constant 0 : i32
      %dma_start3A_45 = tpu.memref_slice %arg4[%arg0, %arg1, %dma_start3A, %dma_start3A_44] : memref<2x16x79x128xi32, #tpu.memory_space<hbm>> -> memref<1x1x79x128xi32, #tpu.memory_space<hbm>>
      %dma_start3A_46 = tpu.memref_squeeze %dma_start3A_45 : memref<1x1x79x128xi32, #tpu.memory_space<hbm>> -> memref<79x128xi32, #tpu.memory_space<hbm>>
      %dma_start3A_47 = arith.constant 0 : i32
      %dma_start3A_48 = arith.constant 0 : i32
      %dma_start3A_49 = tpu.memref_slice %arg4[%arg0, %arg1, %dma_start3A_47, %dma_start3A_48] : memref<2x16x79x128xi32, #tpu.memory_space<hbm>> -> memref<1x1x79x128xi32, #tpu.memory_space<hbm>>
      %dma_start3A_50 = tpu.memref_squeeze %dma_start3A_49 : memref<1x1x79x128xi32, #tpu.memory_space<hbm>> -> memref<79x128xi32, #tpu.memory_space<hbm>>
      tpu.enqueue_dma source(%dma_start3A_50 : memref<79x128xi32, #tpu.memory_space<hbm>>) target(%arg8 : memref<79x128xi32, #tpu.memory_space<vmem>>) target_semaphore(%run_scoped3A : memref<!tpu.dma_semaphore, #tpu.memory_space<semaphore_mem>>)
      %dma_wait3A = arith.constant 0 : i32
      %dma_wait3A_51 = arith.constant 0 : i32
      %dma_wait3A_52 = tpu.memref_slice %arg4[%arg0, %arg1, %dma_wait3A, %dma_wait3A_51] : memref<2x16x79x128xi32, #tpu.memory_space<hbm>> -> memref<1x1x79x128xi32, #tpu.memory_space<hbm>>
      %dma_wait3A_53 = tpu.memref_squeeze %dma_wait3A_52 : memref<1x1x79x128xi32, #tpu.memory_space<hbm>> -> memref<79x128xi32, #tpu.memory_space<hbm>>
      %dma_wait3A_54 = arith.constant 0 : i32
      %dma_wait3A_55 = arith.constant 0 : i32
      %dma_wait3A_56 = tpu.memref_slice %arg4[%arg0, %arg1, %dma_wait3A_54, %dma_wait3A_55] : memref<2x16x79x128xi32, #tpu.memory_space<hbm>> -> memref<1x1x79x128xi32, #tpu.memory_space<hbm>>
      %dma_wait3A_57 = tpu.memref_squeeze %dma_wait3A_56 : memref<1x1x79x128xi32, #tpu.memory_space<hbm>> -> memref<79x128xi32, #tpu.memory_space<hbm>>
      tpu.wait_dma2 semaphore(%run_scoped3A : memref<!tpu.dma_semaphore, #tpu.memory_space<semaphore_mem>>) src(%dma_wait3A_57 : memref<79x128xi32, #tpu.memory_space<hbm>>) dst(%arg8 : memref<79x128xi32, #tpu.memory_space<vmem>>)
      tpu.yield
    }) : () -> ()
    "tpu.region"() ({
      %run_scoped3A = tpu.sem_alloc : memref<!tpu.dma_semaphore, #tpu.memory_space<semaphore_mem>>
      tpu.enqueue_dma source(%arg5 : memref<128x128xf32, #tpu.memory_space<hbm>>) target(%arg9 : memref<128x128xf32, #tpu.memory_space<vmem>>) target_semaphore(%run_scoped3A : memref<!tpu.dma_semaphore, #tpu.memory_space<semaphore_mem>>)
      tpu.wait_dma2 semaphore(%run_scoped3A : memref<!tpu.dma_semaphore, #tpu.memory_space<semaphore_mem>>) src(%arg5 : memref<128x128xf32, #tpu.memory_space<hbm>>) dst(%arg9 : memref<128x128xf32, #tpu.memory_space<vmem>>)
      tpu.yield
    }) : () -> ()
    %mul3A = arith.constant 640 : i32
    %mul3A_0 = arith.muli %arg1, %mul3A : i32
    %add3A = arith.constant 0 : i32
    %add3A_1 = arith.addi %mul3A_0, %add3A : i32
    "tpu.region"() ({
      %run_scoped3A = tpu.sem_alloc : memref<!tpu.dma_semaphore, #tpu.memory_space<semaphore_mem>>
      %dma_start3A = arith.constant 0 : i32
      %dma_start3A_44 = tpu.memref_slice %arg10[%add3A_1, %dma_start3A] : memref<10240x128xf32, #tpu.memory_space<vmem_shared>> -> memref<128x128xf32, #tpu.memory_space<vmem_shared>>
      %dma_start3A_45 = arith.constant 0 : i32
      %dma_start3A_46 = tpu.memref_slice %arg10[%add3A_1, %dma_start3A_45] : memref<10240x128xf32, #tpu.memory_space<vmem_shared>> -> memref<128x128xf32, #tpu.memory_space<vmem_shared>>
      tpu.enqueue_dma source(%arg9 : memref<128x128xf32, #tpu.memory_space<vmem>>) target(%dma_start3A_46 : memref<128x128xf32, #tpu.memory_space<vmem_shared>>) target_semaphore(%run_scoped3A : memref<!tpu.dma_semaphore, #tpu.memory_space<semaphore_mem>>)
      %dma_wait3A = arith.constant 0 : i32
      %dma_wait3A_47 = tpu.memref_slice %arg10[%add3A_1, %dma_wait3A] : memref<10240x128xf32, #tpu.memory_space<vmem_shared>> -> memref<128x128xf32, #tpu.memory_space<vmem_shared>>
      %dma_wait3A_48 = arith.constant 0 : i32
      %dma_wait3A_49 = tpu.memref_slice %arg10[%add3A_1, %dma_wait3A_48] : memref<10240x128xf32, #tpu.memory_space<vmem_shared>> -> memref<128x128xf32, #tpu.memory_space<vmem_shared>>
      tpu.wait_dma2 semaphore(%run_scoped3A : memref<!tpu.dma_semaphore, #tpu.memory_space<semaphore_mem>>) src(%arg9 : memref<128x128xf32, #tpu.memory_space<vmem>>) dst(%dma_wait3A_49 : memref<128x128xf32, #tpu.memory_space<vmem_shared>>)
      tpu.yield
    }) : () -> ()
    %mul3A_2 = arith.constant 640 : i32
    %mul3A_3 = arith.muli %arg1, %mul3A_2 : i32
    %add3A_4 = arith.constant 128 : i32
    %add3A_5 = arith.addi %mul3A_3, %add3A_4 : i32
    "tpu.region"() ({
      %run_scoped3A = tpu.sem_alloc : memref<!tpu.dma_semaphore, #tpu.memory_space<semaphore_mem>>
      %dma_start3A = arith.constant 0 : i32
      %dma_start3A_44 = tpu.memref_slice %arg10[%add3A_5, %dma_start3A] : memref<10240x128xf32, #tpu.memory_space<vmem_shared>> -> memref<128x128xf32, #tpu.memory_space<vmem_shared>>
      %dma_start3A_45 = arith.constant 0 : i32
      %dma_start3A_46 = tpu.memref_slice %arg10[%add3A_5, %dma_start3A_45] : memref<10240x128xf32, #tpu.memory_space<vmem_shared>> -> memref<128x128xf32, #tpu.memory_space<vmem_shared>>
      tpu.enqueue_dma source(%arg9 : memref<128x128xf32, #tpu.memory_space<vmem>>) target(%dma_start3A_46 : memref<128x128xf32, #tpu.memory_space<vmem_shared>>) target_semaphore(%run_scoped3A : memref<!tpu.dma_semaphore, #tpu.memory_space<semaphore_mem>>)
      %dma_wait3A = arith.constant 0 : i32
      %dma_wait3A_47 = tpu.memref_slice %arg10[%add3A_5, %dma_wait3A] : memref<10240x128xf32, #tpu.memory_space<vmem_shared>> -> memref<128x128xf32, #tpu.memory_space<vmem_shared>>
      %dma_wait3A_48 = arith.constant 0 : i32
      %dma_wait3A_49 = tpu.memref_slice %arg10[%add3A_5, %dma_wait3A_48] : memref<10240x128xf32, #tpu.memory_space<vmem_shared>> -> memref<128x128xf32, #tpu.memory_space<vmem_shared>>
      tpu.wait_dma2 semaphore(%run_scoped3A : memref<!tpu.dma_semaphore, #tpu.memory_space<semaphore_mem>>) src(%arg9 : memref<128x128xf32, #tpu.memory_space<vmem>>) dst(%dma_wait3A_49 : memref<128x128xf32, #tpu.memory_space<vmem_shared>>)
      tpu.yield
    }) : () -> ()
    %mul3A_6 = arith.constant 640 : i32
    %mul3A_7 = arith.muli %arg1, %mul3A_6 : i32
    %add3A_8 = arith.constant 256 : i32
    %add3A_9 = arith.addi %mul3A_7, %add3A_8 : i32
    "tpu.region"() ({
      %run_scoped3A = tpu.sem_alloc : memref<!tpu.dma_semaphore, #tpu.memory_space<semaphore_mem>>
      %dma_start3A = arith.constant 0 : i32
      %dma_start3A_44 = tpu.memref_slice %arg10[%add3A_9, %dma_start3A] : memref<10240x128xf32, #tpu.memory_space<vmem_shared>> -> memref<128x128xf32, #tpu.memory_space<vmem_shared>>
      %dma_start3A_45 = arith.constant 0 : i32
      %dma_start3A_46 = tpu.memref_slice %arg10[%add3A_9, %dma_start3A_45] : memref<10240x128xf32, #tpu.memory_space<vmem_shared>> -> memref<128x128xf32, #tpu.memory_space<vmem_shared>>
      tpu.enqueue_dma source(%arg9 : memref<128x128xf32, #tpu.memory_space<vmem>>) target(%dma_start3A_46 : memref<128x128xf32, #tpu.memory_space<vmem_shared>>) target_semaphore(%run_scoped3A : memref<!tpu.dma_semaphore, #tpu.memory_space<semaphore_mem>>)
      %dma_wait3A = arith.constant 0 : i32
      %dma_wait3A_47 = tpu.memref_slice %arg10[%add3A_9, %dma_wait3A] : memref<10240x128xf32, #tpu.memory_space<vmem_shared>> -> memref<128x128xf32, #tpu.memory_space<vmem_shared>>
      %dma_wait3A_48 = arith.constant 0 : i32
      %dma_wait3A_49 = tpu.memref_slice %arg10[%add3A_9, %dma_wait3A_48] : memref<10240x128xf32, #tpu.memory_space<vmem_shared>> -> memref<128x128xf32, #tpu.memory_space<vmem_shared>>
      tpu.wait_dma2 semaphore(%run_scoped3A : memref<!tpu.dma_semaphore, #tpu.memory_space<semaphore_mem>>) src(%arg9 : memref<128x128xf32, #tpu.memory_space<vmem>>) dst(%dma_wait3A_49 : memref<128x128xf32, #tpu.memory_space<vmem_shared>>)
      tpu.yield
    }) : () -> ()
    %mul3A_10 = arith.constant 640 : i32
    %mul3A_11 = arith.muli %arg1, %mul3A_10 : i32
    %add3A_12 = arith.constant 384 : i32
    %add3A_13 = arith.addi %mul3A_11, %add3A_12 : i32
    "tpu.region"() ({
      %run_scoped3A = tpu.sem_alloc : memref<!tpu.dma_semaphore, #tpu.memory_space<semaphore_mem>>
      %dma_start3A = arith.constant 0 : i32
      %dma_start3A_44 = tpu.memref_slice %arg10[%add3A_13, %dma_start3A] : memref<10240x128xf32, #tpu.memory_space<vmem_shared>> -> memref<128x128xf32, #tpu.memory_space<vmem_shared>>
      %dma_start3A_45 = arith.constant 0 : i32
      %dma_start3A_46 = tpu.memref_slice %arg10[%add3A_13, %dma_start3A_45] : memref<10240x128xf32, #tpu.memory_space<vmem_shared>> -> memref<128x128xf32, #tpu.memory_space<vmem_shared>>
      tpu.enqueue_dma source(%arg9 : memref<128x128xf32, #tpu.memory_space<vmem>>) target(%dma_start3A_46 : memref<128x128xf32, #tpu.memory_space<vmem_shared>>) target_semaphore(%run_scoped3A : memref<!tpu.dma_semaphore, #tpu.memory_space<semaphore_mem>>)
      %dma_wait3A = arith.constant 0 : i32
      %dma_wait3A_47 = tpu.memref_slice %arg10[%add3A_13, %dma_wait3A] : memref<10240x128xf32, #tpu.memory_space<vmem_shared>> -> memref<128x128xf32, #tpu.memory_space<vmem_shared>>
      %dma_wait3A_48 = arith.constant 0 : i32
      %dma_wait3A_49 = tpu.memref_slice %arg10[%add3A_13, %dma_wait3A_48] : memref<10240x128xf32, #tpu.memory_space<vmem_shared>> -> memref<128x128xf32, #tpu.memory_space<vmem_shared>>
      tpu.wait_dma2 semaphore(%run_scoped3A : memref<!tpu.dma_semaphore, #tpu.memory_space<semaphore_mem>>) src(%arg9 : memref<128x128xf32, #tpu.memory_space<vmem>>) dst(%dma_wait3A_49 : memref<128x128xf32, #tpu.memory_space<vmem_shared>>)
      tpu.yield
    }) : () -> ()
    %mul3A_14 = arith.constant 640 : i32
    %mul3A_15 = arith.muli %arg1, %mul3A_14 : i32
    %add3A_16 = arith.constant 512 : i32
    %add3A_17 = arith.addi %mul3A_15, %add3A_16 : i32
    "tpu.region"() ({
      %run_scoped3A = tpu.sem_alloc : memref<!tpu.dma_semaphore, #tpu.memory_space<semaphore_mem>>
      %dma_start3A = arith.constant 0 : i32
      %dma_start3A_44 = tpu.memref_slice %arg10[%add3A_17, %dma_start3A] : memref<10240x128xf32, #tpu.memory_space<vmem_shared>> -> memref<128x128xf32, #tpu.memory_space<vmem_shared>>
      %dma_start3A_45 = arith.constant 0 : i32
      %dma_start3A_46 = tpu.memref_slice %arg10[%add3A_17, %dma_start3A_45] : memref<10240x128xf32, #tpu.memory_space<vmem_shared>> -> memref<128x128xf32, #tpu.memory_space<vmem_shared>>
      tpu.enqueue_dma source(%arg9 : memref<128x128xf32, #tpu.memory_space<vmem>>) target(%dma_start3A_46 : memref<128x128xf32, #tpu.memory_space<vmem_shared>>) target_semaphore(%run_scoped3A : memref<!tpu.dma_semaphore, #tpu.memory_space<semaphore_mem>>)
      %dma_wait3A = arith.constant 0 : i32
      %dma_wait3A_47 = tpu.memref_slice %arg10[%add3A_17, %dma_wait3A] : memref<10240x128xf32, #tpu.memory_space<vmem_shared>> -> memref<128x128xf32, #tpu.memory_space<vmem_shared>>
      %dma_wait3A_48 = arith.constant 0 : i32
      %dma_wait3A_49 = tpu.memref_slice %arg10[%add3A_17, %dma_wait3A_48] : memref<10240x128xf32, #tpu.memory_space<vmem_shared>> -> memref<128x128xf32, #tpu.memory_space<vmem_shared>>
      tpu.wait_dma2 semaphore(%run_scoped3A : memref<!tpu.dma_semaphore, #tpu.memory_space<semaphore_mem>>) src(%arg9 : memref<128x128xf32, #tpu.memory_space<vmem>>) dst(%dma_wait3A_49 : memref<128x128xf32, #tpu.memory_space<vmem_shared>>)
      tpu.yield
    }) : () -> ()
    %barrier3A = arith.constant 0 : index
    tpu.barrier barrier_id(%barrier3A)
    %scan3A = arith.constant 0 : i32
    %scan3A_18 = arith.constant 0 : i32
    %scan3A_19 = arith.constant 79 : i32
    %scan3A_20 = arith.addi %scan3A_18, %scan3A_19 : i32
    %scan3A_21 = arith.constant 1 : i32
    scf.for %scan3A_44 = %scan3A_18 to %scan3A_20 step %scan3A_21  : i32 {
      %dma_start3A = arith.constant 0 : i32
      %dma_start3A_45 = tpu.memref_slice %arg7[%scan3A_44, %dma_start3A] : memref<79x128xi32, #tpu.memory_space<vmem>> -> memref<1x128xi32, #tpu.memory_space<vmem>>
      %dma_start3A_46 = tpu.memref_squeeze %dma_start3A_45 : memref<1x128xi32, #tpu.memory_space<vmem>> -> memref<128xi32, #tpu.memory_space<vmem>>
      %dma_start3A_47 = arith.constant 0 : i32
      %dma_start3A_48 = arith.constant 0 : i32
      %dma_start3A_49 = tpu.memref_slice %arg2[%dma_start3A_47, %dma_start3A_48] : memref<10000x128xf32, #tpu.memory_space<hbm>> -> memref<10000x128xf32, #tpu.memory_space<hbm>>
      tpu.enqueue_indirect_dma source(%dma_start3A_49 : memref<10000x128xf32, #tpu.memory_space<hbm>>) target(%arg9 : memref<128x128xf32, #tpu.memory_space<vmem>>) offsets(%dma_start3A_46 : memref<128xi32, #tpu.memory_space<vmem>>) semaphore(%arg11 : memref<!tpu.dma_semaphore, #tpu.memory_space<semaphore_mem>>)
      %dma_wait3A = arith.constant 0 : i32
      %dma_wait3A_50 = tpu.memref_slice %arg7[%scan3A_44, %dma_wait3A] : memref<79x128xi32, #tpu.memory_space<vmem>> -> memref<1x128xi32, #tpu.memory_space<vmem>>
      %dma_wait3A_51 = tpu.memref_squeeze %dma_wait3A_50 : memref<1x128xi32, #tpu.memory_space<vmem>> -> memref<128xi32, #tpu.memory_space<vmem>>
      %dma_wait3A_52 = arith.constant 0 : i32
      %dma_wait3A_53 = arith.constant 0 : i32
      %dma_wait3A_54 = tpu.memref_slice %arg2[%dma_wait3A_52, %dma_wait3A_53] : memref<10000x128xf32, #tpu.memory_space<hbm>> -> memref<10000x128xf32, #tpu.memory_space<hbm>>
      tpu.wait_indirect_dma semaphore(%arg11 : memref<!tpu.dma_semaphore, #tpu.memory_space<semaphore_mem>>) src(%dma_wait3A_54 : memref<10000x128xf32, #tpu.memory_space<hbm>>) dst(%arg9 : memref<128x128xf32, #tpu.memory_space<vmem>>)
      "tpu.region"() ({
        %run_scoped3A = tpu.sem_alloc : memref<!tpu.dma_semaphore, #tpu.memory_space<semaphore_mem>>
        %dma_start3A_55 = arith.constant 0 : i32
        %dma_start3A_56 = tpu.memref_slice %arg8[%scan3A_44, %dma_start3A_55] : memref<79x128xi32, #tpu.memory_space<vmem>> -> memref<1x128xi32, #tpu.memory_space<vmem>>
        %dma_start3A_57 = tpu.memref_squeeze %dma_start3A_56 : memref<1x128xi32, #tpu.memory_space<vmem>> -> memref<128xi32, #tpu.memory_space<vmem>>
        %dma_start3A_58 = arith.constant 0 : i32
        %dma_start3A_59 = arith.constant 0 : i32
        %dma_start3A_60 = tpu.memref_slice %arg10[%dma_start3A_58, %dma_start3A_59] : memref<10240x128xf32, #tpu.memory_space<vmem_shared>> -> memref<10240x128xf32, #tpu.memory_space<vmem_shared>>
        tpu.enqueue_indirect_dma source(%arg9 : memref<128x128xf32, #tpu.memory_space<vmem>>) target(%dma_start3A_60 : memref<10240x128xf32, #tpu.memory_space<vmem_shared>>) offsets(%dma_start3A_57 : memref<128xi32, #tpu.memory_space<vmem>>) semaphore(%run_scoped3A : memref<!tpu.dma_semaphore, #tpu.memory_space<semaphore_mem>>) {add = true}
        %dma_wait3A_61 = arith.constant 0 : i32
        %dma_wait3A_62 = tpu.memref_slice %arg8[%scan3A_44, %dma_wait3A_61] : memref<79x128xi32, #tpu.memory_space<vmem>> -> memref<1x128xi32, #tpu.memory_space<vmem>>
        %dma_wait3A_63 = tpu.memref_squeeze %dma_wait3A_62 : memref<1x128xi32, #tpu.memory_space<vmem>> -> memref<128xi32, #tpu.memory_space<vmem>>
        %dma_wait3A_64 = arith.constant 0 : i32
        %dma_wait3A_65 = arith.constant 0 : i32
        %dma_wait3A_66 = tpu.memref_slice %arg10[%dma_wait3A_64, %dma_wait3A_65] : memref<10240x128xf32, #tpu.memory_space<vmem_shared>> -> memref<10240x128xf32, #tpu.memory_space<vmem_shared>>
        tpu.wait_indirect_dma semaphore(%run_scoped3A : memref<!tpu.dma_semaphore, #tpu.memory_space<semaphore_mem>>) src(%arg9 : memref<128x128xf32, #tpu.memory_space<vmem>>) dst(%dma_wait3A_66 : memref<10240x128xf32, #tpu.memory_space<vmem_shared>>)
        tpu.yield
      }) : () -> ()
    }
    %scan3A_22 = arith.constant 79 : i32
    %barrier3A_23 = arith.constant 0 : index
    tpu.barrier barrier_id(%barrier3A_23)
    %mul3A_24 = arith.constant 640 : i32
    %mul3A_25 = arith.muli %arg1, %mul3A_24 : i32
    %add3A_26 = arith.constant 0 : i32
    %add3A_27 = arith.addi %mul3A_25, %add3A_26 : i32
    "tpu.region"() ({
      %run_scoped3A = tpu.sem_alloc : memref<!tpu.dma_semaphore, #tpu.memory_space<semaphore_mem>>
      %dma_start3A = arith.constant 0 : i32
      %dma_start3A_44 = tpu.memref_slice %arg10[%add3A_27, %dma_start3A] : memref<10240x128xf32, #tpu.memory_space<vmem_shared>> -> memref<128x128xf32, #tpu.memory_space<vmem_shared>>
      %dma_start3A_45 = arith.constant 0 : i32
      %dma_start3A_46 = tpu.memref_slice %arg10[%add3A_27, %dma_start3A_45] : memref<10240x128xf32, #tpu.memory_space<vmem_shared>> -> memref<128x128xf32, #tpu.memory_space<vmem_shared>>
      tpu.enqueue_dma source(%dma_start3A_46 : memref<128x128xf32, #tpu.memory_space<vmem_shared>>) target(%arg9 : memref<128x128xf32, #tpu.memory_space<vmem>>) target_semaphore(%run_scoped3A : memref<!tpu.dma_semaphore, #tpu.memory_space<semaphore_mem>>)
      %dma_wait3A = arith.constant 0 : i32
      %dma_wait3A_47 = tpu.memref_slice %arg10[%add3A_27, %dma_wait3A] : memref<10240x128xf32, #tpu.memory_space<vmem_shared>> -> memref<128x128xf32, #tpu.memory_space<vmem_shared>>
      %dma_wait3A_48 = arith.constant 0 : i32
      %dma_wait3A_49 = tpu.memref_slice %arg10[%add3A_27, %dma_wait3A_48] : memref<10240x128xf32, #tpu.memory_space<vmem_shared>> -> memref<128x128xf32, #tpu.memory_space<vmem_shared>>
      tpu.wait_dma2 semaphore(%run_scoped3A : memref<!tpu.dma_semaphore, #tpu.memory_space<semaphore_mem>>) src(%dma_wait3A_49 : memref<128x128xf32, #tpu.memory_space<vmem_shared>>) dst(%arg9 : memref<128x128xf32, #tpu.memory_space<vmem>>)
      tpu.yield
    }) : () -> ()
    "tpu.region"() ({
      %run_scoped3A = tpu.sem_alloc : memref<!tpu.dma_semaphore, #tpu.memory_space<semaphore_mem>>
      %dma_start3A = arith.constant 0 : i32
      %dma_start3A_44 = tpu.memref_slice %arg6[%arg0, %add3A_27, %dma_start3A] : memref<2x10240x128xf32, #tpu.memory_space<hbm>> -> memref<1x128x128xf32, #tpu.memory_space<hbm>>
      %dma_start3A_45 = tpu.memref_squeeze %dma_start3A_44 : memref<1x128x128xf32, #tpu.memory_space<hbm>> -> memref<128x128xf32, #tpu.memory_space<hbm>>
      %dma_start3A_46 = arith.constant 0 : i32
      %dma_start3A_47 = tpu.memref_slice %arg6[%arg0, %add3A_27, %dma_start3A_46] : memref<2x10240x128xf32, #tpu.memory_space<hbm>> -> memref<1x128x128xf32, #tpu.memory_space<hbm>>
      %dma_start3A_48 = tpu.memref_squeeze %dma_start3A_47 : memref<1x128x128xf32, #tpu.memory_space<hbm>> -> memref<128x128xf32, #tpu.memory_space<hbm>>
      tpu.enqueue_dma source(%arg9 : memref<128x128xf32, #tpu.memory_space<vmem>>) target(%dma_start3A_48 : memref<128x128xf32, #tpu.memory_space<hbm>>) target_semaphore(%run_scoped3A : memref<!tpu.dma_semaphore, #tpu.memory_space<semaphore_mem>>)
      %dma_wait3A = arith.constant 0 : i32
      %dma_wait3A_49 = tpu.memref_slice %arg6[%arg0, %add3A_27, %dma_wait3A] : memref<2x10240x128xf32, #tpu.memory_space<hbm>> -> memref<1x128x128xf32, #tpu.memory_space<hbm>>
      %dma_wait3A_50 = tpu.memref_squeeze %dma_wait3A_49 : memref<1x128x128xf32, #tpu.memory_space<hbm>> -> memref<128x128xf32, #tpu.memory_space<hbm>>
      %dma_wait3A_51 = arith.constant 0 : i32
      %dma_wait3A_52 = tpu.memref_slice %arg6[%arg0, %add3A_27, %dma_wait3A_51] : memref<2x10240x128xf32, #tpu.memory_space<hbm>> -> memref<1x128x128xf32, #tpu.memory_space<hbm>>
      %dma_wait3A_53 = tpu.memref_squeeze %dma_wait3A_52 : memref<1x128x128xf32, #tpu.memory_space<hbm>> -> memref<128x128xf32, #tpu.memory_space<hbm>>
      tpu.wait_dma2 semaphore(%run_scoped3A : memref<!tpu.dma_semaphore, #tpu.memory_space<semaphore_mem>>) src(%arg9 : memref<128x128xf32, #tpu.memory_space<vmem>>) dst(%dma_wait3A_53 : memref<128x128xf32, #tpu.memory_space<hbm>>)
      tpu.yield
    }) : () -> ()
    %mul3A_28 = arith.constant 640 : i32
    %mul3A_29 = arith.muli %arg1, %mul3A_28 : i32
    %add3A_30 = arith.constant 128 : i32
    %add3A_31 = arith.addi %mul3A_29, %add3A_30 : i32
    "tpu.region"() ({
      %run_scoped3A = tpu.sem_alloc : memref<!tpu.dma_semaphore, #tpu.memory_space<semaphore_mem>>
      %dma_start3A = arith.constant 0 : i32
      %dma_start3A_44 = tpu.memref_slice %arg10[%add3A_31, %dma_start3A] : memref<10240x128xf32, #tpu.memory_space<vmem_shared>> -> memref<128x128xf32, #tpu.memory_space<vmem_shared>>
      %dma_start3A_45 = arith.constant 0 : i32
      %dma_start3A_46 = tpu.memref_slice %arg10[%add3A_31, %dma_start3A_45] : memref<10240x128xf32, #tpu.memory_space<vmem_shared>> -> memref<128x128xf32, #tpu.memory_space<vmem_shared>>
      tpu.enqueue_dma source(%dma_start3A_46 : memref<128x128xf32, #tpu.memory_space<vmem_shared>>) target(%arg9 : memref<128x128xf32, #tpu.memory_space<vmem>>) target_semaphore(%run_scoped3A : memref<!tpu.dma_semaphore, #tpu.memory_space<semaphore_mem>>)
      %dma_wait3A = arith.constant 0 : i32
      %dma_wait3A_47 = tpu.memref_slice %arg10[%add3A_31, %dma_wait3A] : memref<10240x128xf32, #tpu.memory_space<vmem_shared>> -> memref<128x128xf32, #tpu.memory_space<vmem_shared>>
      %dma_wait3A_48 = arith.constant 0 : i32
      %dma_wait3A_49 = tpu.memref_slice %arg10[%add3A_31, %dma_wait3A_48] : memref<10240x128xf32, #tpu.memory_space<vmem_shared>> -> memref<128x128xf32, #tpu.memory_space<vmem_shared>>
      tpu.wait_dma2 semaphore(%run_scoped3A : memref<!tpu.dma_semaphore, #tpu.memory_space<semaphore_mem>>) src(%dma_wait3A_49 : memref<128x128xf32, #tpu.memory_space<vmem_shared>>) dst(%arg9 : memref<128x128xf32, #tpu.memory_space<vmem>>)
      tpu.yield
    }) : () -> ()
    "tpu.region"() ({
      %run_scoped3A = tpu.sem_alloc : memref<!tpu.dma_semaphore, #tpu.memory_space<semaphore_mem>>
      %dma_start3A = arith.constant 0 : i32
      %dma_start3A_44 = tpu.memref_slice %arg6[%arg0, %add3A_31, %dma_start3A] : memref<2x10240x128xf32, #tpu.memory_space<hbm>> -> memref<1x128x128xf32, #tpu.memory_space<hbm>>
      %dma_start3A_45 = tpu.memref_squeeze %dma_start3A_44 : memref<1x128x128xf32, #tpu.memory_space<hbm>> -> memref<128x128xf32, #tpu.memory_space<hbm>>
      %dma_start3A_46 = arith.constant 0 : i32
      %dma_start3A_47 = tpu.memref_slice %arg6[%arg0, %add3A_31, %dma_start3A_46] : memref<2x10240x128xf32, #tpu.memory_space<hbm>> -> memref<1x128x128xf32, #tpu.memory_space<hbm>>
      %dma_start3A_48 = tpu.memref_squeeze %dma_start3A_47 : memref<1x128x128xf32, #tpu.memory_space<hbm>> -> memref<128x128xf32, #tpu.memory_space<hbm>>
      tpu.enqueue_dma source(%arg9 : memref<128x128xf32, #tpu.memory_space<vmem>>) target(%dma_start3A_48 : memref<128x128xf32, #tpu.memory_space<hbm>>) target_semaphore(%run_scoped3A : memref<!tpu.dma_semaphore, #tpu.memory_space<semaphore_mem>>)
      %dma_wait3A = arith.constant 0 : i32
      %dma_wait3A_49 = tpu.memref_slice %arg6[%arg0, %add3A_31, %dma_wait3A] : memref<2x10240x128xf32, #tpu.memory_space<hbm>> -> memref<1x128x128xf32, #tpu.memory_space<hbm>>
      %dma_wait3A_50 = tpu.memref_squeeze %dma_wait3A_49 : memref<1x128x128xf32, #tpu.memory_space<hbm>> -> memref<128x128xf32, #tpu.memory_space<hbm>>
      %dma_wait3A_51 = arith.constant 0 : i32
      %dma_wait3A_52 = tpu.memref_slice %arg6[%arg0, %add3A_31, %dma_wait3A_51] : memref<2x10240x128xf32, #tpu.memory_space<hbm>> -> memref<1x128x128xf32, #tpu.memory_space<hbm>>
      %dma_wait3A_53 = tpu.memref_squeeze %dma_wait3A_52 : memref<1x128x128xf32, #tpu.memory_space<hbm>> -> memref<128x128xf32, #tpu.memory_space<hbm>>
      tpu.wait_dma2 semaphore(%run_scoped3A : memref<!tpu.dma_semaphore, #tpu.memory_space<semaphore_mem>>) src(%arg9 : memref<128x128xf32, #tpu.memory_space<vmem>>) dst(%dma_wait3A_53 : memref<128x128xf32, #tpu.memory_space<hbm>>)
      tpu.yield
    }) : () -> ()
    %mul3A_32 = arith.constant 640 : i32
    %mul3A_33 = arith.muli %arg1, %mul3A_32 : i32
    %add3A_34 = arith.constant 256 : i32
    %add3A_35 = arith.addi %mul3A_33, %add3A_34 : i32
    "tpu.region"() ({
      %run_scoped3A = tpu.sem_alloc : memref<!tpu.dma_semaphore, #tpu.memory_space<semaphore_mem>>
      %dma_start3A = arith.constant 0 : i32
      %dma_start3A_44 = tpu.memref_slice %arg10[%add3A_35, %dma_start3A] : memref<10240x128xf32, #tpu.memory_space<vmem_shared>> -> memref<128x128xf32, #tpu.memory_space<vmem_shared>>
      %dma_start3A_45 = arith.constant 0 : i32
      %dma_start3A_46 = tpu.memref_slice %arg10[%add3A_35, %dma_start3A_45] : memref<10240x128xf32, #tpu.memory_space<vmem_shared>> -> memref<128x128xf32, #tpu.memory_space<vmem_shared>>
      tpu.enqueue_dma source(%dma_start3A_46 : memref<128x128xf32, #tpu.memory_space<vmem_shared>>) target(%arg9 : memref<128x128xf32, #tpu.memory_space<vmem>>) target_semaphore(%run_scoped3A : memref<!tpu.dma_semaphore, #tpu.memory_space<semaphore_mem>>)
      %dma_wait3A = arith.constant 0 : i32
      %dma_wait3A_47 = tpu.memref_slice %arg10[%add3A_35, %dma_wait3A] : memref<10240x128xf32, #tpu.memory_space<vmem_shared>> -> memref<128x128xf32, #tpu.memory_space<vmem_shared>>
      %dma_wait3A_48 = arith.constant 0 : i32
      %dma_wait3A_49 = tpu.memref_slice %arg10[%add3A_35, %dma_wait3A_48] : memref<10240x128xf32, #tpu.memory_space<vmem_shared>> -> memref<128x128xf32, #tpu.memory_space<vmem_shared>>
      tpu.wait_dma2 semaphore(%run_scoped3A : memref<!tpu.dma_semaphore, #tpu.memory_space<semaphore_mem>>) src(%dma_wait3A_49 : memref<128x128xf32, #tpu.memory_space<vmem_shared>>) dst(%arg9 : memref<128x128xf32, #tpu.memory_space<vmem>>)
      tpu.yield
    }) : () -> ()
    "tpu.region"() ({
      %run_scoped3A = tpu.sem_alloc : memref<!tpu.dma_semaphore, #tpu.memory_space<semaphore_mem>>
      %dma_start3A = arith.constant 0 : i32
      %dma_start3A_44 = tpu.memref_slice %arg6[%arg0, %add3A_35, %dma_start3A] : memref<2x10240x128xf32, #tpu.memory_space<hbm>> -> memref<1x128x128xf32, #tpu.memory_space<hbm>>
      %dma_start3A_45 = tpu.memref_squeeze %dma_start3A_44 : memref<1x128x128xf32, #tpu.memory_space<hbm>> -> memref<128x128xf32, #tpu.memory_space<hbm>>
      %dma_start3A_46 = arith.constant 0 : i32
      %dma_start3A_47 = tpu.memref_slice %arg6[%arg0, %add3A_35, %dma_start3A_46] : memref<2x10240x128xf32, #tpu.memory_space<hbm>> -> memref<1x128x128xf32, #tpu.memory_space<hbm>>
      %dma_start3A_48 = tpu.memref_squeeze %dma_start3A_47 : memref<1x128x128xf32, #tpu.memory_space<hbm>> -> memref<128x128xf32, #tpu.memory_space<hbm>>
      tpu.enqueue_dma source(%arg9 : memref<128x128xf32, #tpu.memory_space<vmem>>) target(%dma_start3A_48 : memref<128x128xf32, #tpu.memory_space<hbm>>) target_semaphore(%run_scoped3A : memref<!tpu.dma_semaphore, #tpu.memory_space<semaphore_mem>>)
      %dma_wait3A = arith.constant 0 : i32
      %dma_wait3A_49 = tpu.memref_slice %arg6[%arg0, %add3A_35, %dma_wait3A] : memref<2x10240x128xf32, #tpu.memory_space<hbm>> -> memref<1x128x128xf32, #tpu.memory_space<hbm>>
      %dma_wait3A_50 = tpu.memref_squeeze %dma_wait3A_49 : memref<1x128x128xf32, #tpu.memory_space<hbm>> -> memref<128x128xf32, #tpu.memory_space<hbm>>
      %dma_wait3A_51 = arith.constant 0 : i32
      %dma_wait3A_52 = tpu.memref_slice %arg6[%arg0, %add3A_35, %dma_wait3A_51] : memref<2x10240x128xf32, #tpu.memory_space<hbm>> -> memref<1x128x128xf32, #tpu.memory_space<hbm>>
      %dma_wait3A_53 = tpu.memref_squeeze %dma_wait3A_52 : memref<1x128x128xf32, #tpu.memory_space<hbm>> -> memref<128x128xf32, #tpu.memory_space<hbm>>
      tpu.wait_dma2 semaphore(%run_scoped3A : memref<!tpu.dma_semaphore, #tpu.memory_space<semaphore_mem>>) src(%arg9 : memref<128x128xf32, #tpu.memory_space<vmem>>) dst(%dma_wait3A_53 : memref<128x128xf32, #tpu.memory_space<hbm>>)
      tpu.yield
    }) : () -> ()
    %mul3A_36 = arith.constant 640 : i32
    %mul3A_37 = arith.muli %arg1, %mul3A_36 : i32
    %add3A_38 = arith.constant 384 : i32
    %add3A_39 = arith.addi %mul3A_37, %add3A_38 : i32
    "tpu.region"() ({
      %run_scoped3A = tpu.sem_alloc : memref<!tpu.dma_semaphore, #tpu.memory_space<semaphore_mem>>
      %dma_start3A = arith.constant 0 : i32
      %dma_start3A_44 = tpu.memref_slice %arg10[%add3A_39, %dma_start3A] : memref<10240x128xf32, #tpu.memory_space<vmem_shared>> -> memref<128x128xf32, #tpu.memory_space<vmem_shared>>
      %dma_start3A_45 = arith.constant 0 : i32
      %dma_start3A_46 = tpu.memref_slice %arg10[%add3A_39, %dma_start3A_45] : memref<10240x128xf32, #tpu.memory_space<vmem_shared>> -> memref<128x128xf32, #tpu.memory_space<vmem_shared>>
      tpu.enqueue_dma source(%dma_start3A_46 : memref<128x128xf32, #tpu.memory_space<vmem_shared>>) target(%arg9 : memref<128x128xf32, #tpu.memory_space<vmem>>) target_semaphore(%run_scoped3A : memref<!tpu.dma_semaphore, #tpu.memory_space<semaphore_mem>>)
      %dma_wait3A = arith.constant 0 : i32
      %dma_wait3A_47 = tpu.memref_slice %arg10[%add3A_39, %dma_wait3A] : memref<10240x128xf32, #tpu.memory_space<vmem_shared>> -> memref<128x128xf32, #tpu.memory_space<vmem_shared>>
      %dma_wait3A_48 = arith.constant 0 : i32
      %dma_wait3A_49 = tpu.memref_slice %arg10[%add3A_39, %dma_wait3A_48] : memref<10240x128xf32, #tpu.memory_space<vmem_shared>> -> memref<128x128xf32, #tpu.memory_space<vmem_shared>>
      tpu.wait_dma2 semaphore(%run_scoped3A : memref<!tpu.dma_semaphore, #tpu.memory_space<semaphore_mem>>) src(%dma_wait3A_49 : memref<128x128xf32, #tpu.memory_space<vmem_shared>>) dst(%arg9 : memref<128x128xf32, #tpu.memory_space<vmem>>)
      tpu.yield
    }) : () -> ()
    "tpu.region"() ({
      %run_scoped3A = tpu.sem_alloc : memref<!tpu.dma_semaphore, #tpu.memory_space<semaphore_mem>>
      %dma_start3A = arith.constant 0 : i32
      %dma_start3A_44 = tpu.memref_slice %arg6[%arg0, %add3A_39, %dma_start3A] : memref<2x10240x128xf32, #tpu.memory_space<hbm>> -> memref<1x128x128xf32, #tpu.memory_space<hbm>>
      %dma_start3A_45 = tpu.memref_squeeze %dma_start3A_44 : memref<1x128x128xf32, #tpu.memory_space<hbm>> -> memref<128x128xf32, #tpu.memory_space<hbm>>
      %dma_start3A_46 = arith.constant 0 : i32
      %dma_start3A_47 = tpu.memref_slice %arg6[%arg0, %add3A_39, %dma_start3A_46] : memref<2x10240x128xf32, #tpu.memory_space<hbm>> -> memref<1x128x128xf32, #tpu.memory_space<hbm>>
      %dma_start3A_48 = tpu.memref_squeeze %dma_start3A_47 : memref<1x128x128xf32, #tpu.memory_space<hbm>> -> memref<128x128xf32, #tpu.memory_space<hbm>>
      tpu.enqueue_dma source(%arg9 : memref<128x128xf32, #tpu.memory_space<vmem>>) target(%dma_start3A_48 : memref<128x128xf32, #tpu.memory_space<hbm>>) target_semaphore(%run_scoped3A : memref<!tpu.dma_semaphore, #tpu.memory_space<semaphore_mem>>)
      %dma_wait3A = arith.constant 0 : i32
      %dma_wait3A_49 = tpu.memref_slice %arg6[%arg0, %add3A_39, %dma_wait3A] : memref<2x10240x128xf32, #tpu.memory_space<hbm>> -> memref<1x128x128xf32, #tpu.memory_space<hbm>>
      %dma_wait3A_50 = tpu.memref_squeeze %dma_wait3A_49 : memref<1x128x128xf32, #tpu.memory_space<hbm>> -> memref<128x128xf32, #tpu.memory_space<hbm>>
      %dma_wait3A_51 = arith.constant 0 : i32
      %dma_wait3A_52 = tpu.memref_slice %arg6[%arg0, %add3A_39, %dma_wait3A_51] : memref<2x10240x128xf32, #tpu.memory_space<hbm>> -> memref<1x128x128xf32, #tpu.memory_space<hbm>>
      %dma_wait3A_53 = tpu.memref_squeeze %dma_wait3A_52 : memref<1x128x128xf32, #tpu.memory_space<hbm>> -> memref<128x128xf32, #tpu.memory_space<hbm>>
      tpu.wait_dma2 semaphore(%run_scoped3A : memref<!tpu.dma_semaphore, #tpu.memory_space<semaphore_mem>>) src(%arg9 : memref<128x128xf32, #tpu.memory_space<vmem>>) dst(%dma_wait3A_53 : memref<128x128xf32, #tpu.memory_space<hbm>>)
      tpu.yield
    }) : () -> ()
    %mul3A_40 = arith.constant 640 : i32
    %mul3A_41 = arith.muli %arg1, %mul3A_40 : i32
    %add3A_42 = arith.constant 512 : i32
    %add3A_43 = arith.addi %mul3A_41, %add3A_42 : i32
    "tpu.region"() ({
      %run_scoped3A = tpu.sem_alloc : memref<!tpu.dma_semaphore, #tpu.memory_space<semaphore_mem>>
      %dma_start3A = arith.constant 0 : i32
      %dma_start3A_44 = tpu.memref_slice %arg10[%add3A_43, %dma_start3A] : memref<10240x128xf32, #tpu.memory_space<vmem_shared>> -> memref<128x128xf32, #tpu.memory_space<vmem_shared>>
      %dma_start3A_45 = arith.constant 0 : i32
      %dma_start3A_46 = tpu.memref_slice %arg10[%add3A_43, %dma_start3A_45] : memref<10240x128xf32, #tpu.memory_space<vmem_shared>> -> memref<128x128xf32, #tpu.memory_space<vmem_shared>>
      tpu.enqueue_dma source(%dma_start3A_46 : memref<128x128xf32, #tpu.memory_space<vmem_shared>>) target(%arg9 : memref<128x128xf32, #tpu.memory_space<vmem>>) target_semaphore(%run_scoped3A : memref<!tpu.dma_semaphore, #tpu.memory_space<semaphore_mem>>)
      %dma_wait3A = arith.constant 0 : i32
      %dma_wait3A_47 = tpu.memref_slice %arg10[%add3A_43, %dma_wait3A] : memref<10240x128xf32, #tpu.memory_space<vmem_shared>> -> memref<128x128xf32, #tpu.memory_space<vmem_shared>>
      %dma_wait3A_48 = arith.constant 0 : i32
      %dma_wait3A_49 = tpu.memref_slice %arg10[%add3A_43, %dma_wait3A_48] : memref<10240x128xf32, #tpu.memory_space<vmem_shared>> -> memref<128x128xf32, #tpu.memory_space<vmem_shared>>
      tpu.wait_dma2 semaphore(%run_scoped3A : memref<!tpu.dma_semaphore, #tpu.memory_space<semaphore_mem>>) src(%dma_wait3A_49 : memref<128x128xf32, #tpu.memory_space<vmem_shared>>) dst(%arg9 : memref<128x128xf32, #tpu.memory_space<vmem>>)
      tpu.yield
    }) : () -> ()
    "tpu.region"() ({
      %run_scoped3A = tpu.sem_alloc : memref<!tpu.dma_semaphore, #tpu.memory_space<semaphore_mem>>
      %dma_start3A = arith.constant 0 : i32
      %dma_start3A_44 = tpu.memref_slice %arg6[%arg0, %add3A_43, %dma_start3A] : memref<2x10240x128xf32, #tpu.memory_space<hbm>> -> memref<1x128x128xf32, #tpu.memory_space<hbm>>
      %dma_start3A_45 = tpu.memref_squeeze %dma_start3A_44 : memref<1x128x128xf32, #tpu.memory_space<hbm>> -> memref<128x128xf32, #tpu.memory_space<hbm>>
      %dma_start3A_46 = arith.constant 0 : i32
      %dma_start3A_47 = tpu.memref_slice %arg6[%arg0, %add3A_43, %dma_start3A_46] : memref<2x10240x128xf32, #tpu.memory_space<hbm>> -> memref<1x128x128xf32, #tpu.memory_space<hbm>>
      %dma_start3A_48 = tpu.memref_squeeze %dma_start3A_47 : memref<1x128x128xf32, #tpu.memory_space<hbm>> -> memref<128x128xf32, #tpu.memory_space<hbm>>
      tpu.enqueue_dma source(%arg9 : memref<128x128xf32, #tpu.memory_space<vmem>>) target(%dma_start3A_48 : memref<128x128xf32, #tpu.memory_space<hbm>>) target_semaphore(%run_scoped3A : memref<!tpu.dma_semaphore, #tpu.memory_space<semaphore_mem>>)
      %dma_wait3A = arith.constant 0 : i32
      %dma_wait3A_49 = tpu.memref_slice %arg6[%arg0, %add3A_43, %dma_wait3A] : memref<2x10240x128xf32, #tpu.memory_space<hbm>> -> memref<1x128x128xf32, #tpu.memory_space<hbm>>
      %dma_wait3A_50 = tpu.memref_squeeze %dma_wait3A_49 : memref<1x128x128xf32, #tpu.memory_space<hbm>> -> memref<128x128xf32, #tpu.memory_space<hbm>>
      %dma_wait3A_51 = arith.constant 0 : i32
      %dma_wait3A_52 = tpu.memref_slice %arg6[%arg0, %add3A_43, %dma_wait3A_51] : memref<2x10240x128xf32, #tpu.memory_space<hbm>> -> memref<1x128x128xf32, #tpu.memory_space<hbm>>
      %dma_wait3A_53 = tpu.memref_squeeze %dma_wait3A_52 : memref<1x128x128xf32, #tpu.memory_space<hbm>> -> memref<128x128xf32, #tpu.memory_space<hbm>>
      tpu.wait_dma2 semaphore(%run_scoped3A : memref<!tpu.dma_semaphore, #tpu.memory_space<semaphore_mem>>) src(%arg9 : memref<128x128xf32, #tpu.memory_space<vmem>>) dst(%dma_wait3A_53 : memref<128x128xf32, #tpu.memory_space<hbm>>)
      tpu.yield
    }) : () -> ()
    return
  }
}

#map = affine_map<(d0, d1) -> (0, 0, 0, 0)>
#map1 = affine_map<(d0, d1) -> (0)>
#map2 = affine_map<(d0, d1) -> (0, 0)>
module attributes {stable_mosaic.version = 14 : i64} {
  func.func @_deg_body(%arg0: i32, %arg1: i32, %arg2: memref<2x16x157x128xi32, #tpu.memory_space<hbm>>, %arg3: memref<128xf32, #tpu.memory_space<hbm>>, %arg4: memref<640xf32, #tpu.memory_space<hbm>>, %arg5: memref<2x10240xf32, #tpu.memory_space<hbm>>, %arg6: memref<157x128xi32, #tpu.memory_space<vmem>>, %arg7: memref<128xf32, #tpu.memory_space<vmem>>, %arg8: memref<640xf32, #tpu.memory_space<vmem>>, %arg9: memref<10240xf32, #tpu.memory_space<vmem_shared>>) attributes {dimension_semantics = [#tpu.dimension_semantics<core_parallel>, #tpu.dimension_semantics<subcore_parallel>], iteration_bounds = array<i64: 2, 16>, scalar_prefetch = 0 : i64, scratch_operands = 4 : i64, tpu.core_type = #tpu.core_type<sc_vector_subcore>, window_params = [{transform_indices = #map}, {transform_indices = #map1}, {transform_indices = #map1}, {transform_indices = #map2}]} {
    "tpu.region"() ({
      %run_scoped3A = tpu.sem_alloc : memref<!tpu.dma_semaphore, #tpu.memory_space<semaphore_mem>>
      tpu.enqueue_dma source(%arg3 : memref<128xf32, #tpu.memory_space<hbm>>) target(%arg7 : memref<128xf32, #tpu.memory_space<vmem>>) target_semaphore(%run_scoped3A : memref<!tpu.dma_semaphore, #tpu.memory_space<semaphore_mem>>)
      tpu.wait_dma2 semaphore(%run_scoped3A : memref<!tpu.dma_semaphore, #tpu.memory_space<semaphore_mem>>) src(%arg3 : memref<128xf32, #tpu.memory_space<hbm>>) dst(%arg7 : memref<128xf32, #tpu.memory_space<vmem>>)
      tpu.yield
    }) : () -> ()
    "tpu.region"() ({
      %run_scoped3A = tpu.sem_alloc : memref<!tpu.dma_semaphore, #tpu.memory_space<semaphore_mem>>
      tpu.enqueue_dma source(%arg4 : memref<640xf32, #tpu.memory_space<hbm>>) target(%arg8 : memref<640xf32, #tpu.memory_space<vmem>>) target_semaphore(%run_scoped3A : memref<!tpu.dma_semaphore, #tpu.memory_space<semaphore_mem>>)
      tpu.wait_dma2 semaphore(%run_scoped3A : memref<!tpu.dma_semaphore, #tpu.memory_space<semaphore_mem>>) src(%arg4 : memref<640xf32, #tpu.memory_space<hbm>>) dst(%arg8 : memref<640xf32, #tpu.memory_space<vmem>>)
      tpu.yield
    }) : () -> ()
    "tpu.region"() ({
      %run_scoped3A = tpu.sem_alloc : memref<!tpu.dma_semaphore, #tpu.memory_space<semaphore_mem>>
      %dma_start3A = arith.constant 0 : i32
      %dma_start3A_11 = arith.constant 0 : i32
      %dma_start3A_12 = tpu.memref_slice %arg2[%arg0, %arg1, %dma_start3A, %dma_start3A_11] : memref<2x16x157x128xi32, #tpu.memory_space<hbm>> -> memref<1x1x157x128xi32, #tpu.memory_space<hbm>>
      %dma_start3A_13 = tpu.memref_squeeze %dma_start3A_12 : memref<1x1x157x128xi32, #tpu.memory_space<hbm>> -> memref<157x128xi32, #tpu.memory_space<hbm>>
      %dma_start3A_14 = arith.constant 0 : i32
      %dma_start3A_15 = arith.constant 0 : i32
      %dma_start3A_16 = tpu.memref_slice %arg2[%arg0, %arg1, %dma_start3A_14, %dma_start3A_15] : memref<2x16x157x128xi32, #tpu.memory_space<hbm>> -> memref<1x1x157x128xi32, #tpu.memory_space<hbm>>
      %dma_start3A_17 = tpu.memref_squeeze %dma_start3A_16 : memref<1x1x157x128xi32, #tpu.memory_space<hbm>> -> memref<157x128xi32, #tpu.memory_space<hbm>>
      tpu.enqueue_dma source(%dma_start3A_17 : memref<157x128xi32, #tpu.memory_space<hbm>>) target(%arg6 : memref<157x128xi32, #tpu.memory_space<vmem>>) target_semaphore(%run_scoped3A : memref<!tpu.dma_semaphore, #tpu.memory_space<semaphore_mem>>)
      %dma_wait3A = arith.constant 0 : i32
      %dma_wait3A_18 = arith.constant 0 : i32
      %dma_wait3A_19 = tpu.memref_slice %arg2[%arg0, %arg1, %dma_wait3A, %dma_wait3A_18] : memref<2x16x157x128xi32, #tpu.memory_space<hbm>> -> memref<1x1x157x128xi32, #tpu.memory_space<hbm>>
      %dma_wait3A_20 = tpu.memref_squeeze %dma_wait3A_19 : memref<1x1x157x128xi32, #tpu.memory_space<hbm>> -> memref<157x128xi32, #tpu.memory_space<hbm>>
      %dma_wait3A_21 = arith.constant 0 : i32
      %dma_wait3A_22 = arith.constant 0 : i32
      %dma_wait3A_23 = tpu.memref_slice %arg2[%arg0, %arg1, %dma_wait3A_21, %dma_wait3A_22] : memref<2x16x157x128xi32, #tpu.memory_space<hbm>> -> memref<1x1x157x128xi32, #tpu.memory_space<hbm>>
      %dma_wait3A_24 = tpu.memref_squeeze %dma_wait3A_23 : memref<1x1x157x128xi32, #tpu.memory_space<hbm>> -> memref<157x128xi32, #tpu.memory_space<hbm>>
      tpu.wait_dma2 semaphore(%run_scoped3A : memref<!tpu.dma_semaphore, #tpu.memory_space<semaphore_mem>>) src(%dma_wait3A_24 : memref<157x128xi32, #tpu.memory_space<hbm>>) dst(%arg6 : memref<157x128xi32, #tpu.memory_space<vmem>>)
      tpu.yield
    }) : () -> ()
    %mul3A = arith.constant 640 : i32
    %mul3A_0 = arith.muli %arg1, %mul3A : i32
    "tpu.region"() ({
      %run_scoped3A = tpu.sem_alloc : memref<!tpu.dma_semaphore, #tpu.memory_space<semaphore_mem>>
      %dma_start3A = tpu.memref_slice %arg9[%mul3A_0] : memref<10240xf32, #tpu.memory_space<vmem_shared>> -> memref<640xf32, #tpu.memory_space<vmem_shared>>
      %dma_start3A_11 = tpu.memref_slice %arg9[%mul3A_0] : memref<10240xf32, #tpu.memory_space<vmem_shared>> -> memref<640xf32, #tpu.memory_space<vmem_shared>>
      tpu.enqueue_dma source(%arg8 : memref<640xf32, #tpu.memory_space<vmem>>) target(%dma_start3A_11 : memref<640xf32, #tpu.memory_space<vmem_shared>>) target_semaphore(%run_scoped3A : memref<!tpu.dma_semaphore, #tpu.memory_space<semaphore_mem>>)
      %dma_wait3A = tpu.memref_slice %arg9[%mul3A_0] : memref<10240xf32, #tpu.memory_space<vmem_shared>> -> memref<640xf32, #tpu.memory_space<vmem_shared>>
      %dma_wait3A_12 = tpu.memref_slice %arg9[%mul3A_0] : memref<10240xf32, #tpu.memory_space<vmem_shared>> -> memref<640xf32, #tpu.memory_space<vmem_shared>>
      tpu.wait_dma2 semaphore(%run_scoped3A : memref<!tpu.dma_semaphore, #tpu.memory_space<semaphore_mem>>) src(%arg8 : memref<640xf32, #tpu.memory_space<vmem>>) dst(%dma_wait3A_12 : memref<640xf32, #tpu.memory_space<vmem_shared>>)
      tpu.yield
    }) : () -> ()
    %barrier3A = arith.constant 0 : index
    tpu.barrier barrier_id(%barrier3A)
    %scan3A = arith.constant 0 : i32
    %scan3A_1 = arith.constant 0 : i32
    %scan3A_2 = arith.constant 157 : i32
    %scan3A_3 = arith.addi %scan3A_1, %scan3A_2 : i32
    %scan3A_4 = arith.constant 1 : i32
    scf.for %scan3A_11 = %scan3A_1 to %scan3A_3 step %scan3A_4  : i32 {
      "tpu.region"() ({
        %run_scoped3A = tpu.sem_alloc : memref<!tpu.dma_semaphore, #tpu.memory_space<semaphore_mem>>
        %dma_start3A = arith.constant 0 : i32
        %dma_start3A_12 = tpu.memref_slice %arg6[%scan3A_11, %dma_start3A] : memref<157x128xi32, #tpu.memory_space<vmem>> -> memref<1x128xi32, #tpu.memory_space<vmem>>
        %dma_start3A_13 = tpu.memref_squeeze %dma_start3A_12 : memref<1x128xi32, #tpu.memory_space<vmem>> -> memref<128xi32, #tpu.memory_space<vmem>>
        %dma_start3A_14 = arith.constant 0 : i32
        %dma_start3A_15 = tpu.memref_slice %arg9[%dma_start3A_14] : memref<10240xf32, #tpu.memory_space<vmem_shared>> -> memref<10240xf32, #tpu.memory_space<vmem_shared>>
        tpu.enqueue_indirect_dma source(%arg7 : memref<128xf32, #tpu.memory_space<vmem>>) target(%dma_start3A_15 : memref<10240xf32, #tpu.memory_space<vmem_shared>>) offsets(%dma_start3A_13 : memref<128xi32, #tpu.memory_space<vmem>>) semaphore(%run_scoped3A : memref<!tpu.dma_semaphore, #tpu.memory_space<semaphore_mem>>) {add = true}
        %dma_wait3A = arith.constant 0 : i32
        %dma_wait3A_16 = tpu.memref_slice %arg6[%scan3A_11, %dma_wait3A] : memref<157x128xi32, #tpu.memory_space<vmem>> -> memref<1x128xi32, #tpu.memory_space<vmem>>
        %dma_wait3A_17 = tpu.memref_squeeze %dma_wait3A_16 : memref<1x128xi32, #tpu.memory_space<vmem>> -> memref<128xi32, #tpu.memory_space<vmem>>
        %dma_wait3A_18 = arith.constant 0 : i32
        %dma_wait3A_19 = tpu.memref_slice %arg9[%dma_wait3A_18] : memref<10240xf32, #tpu.memory_space<vmem_shared>> -> memref<10240xf32, #tpu.memory_space<vmem_shared>>
        tpu.wait_indirect_dma semaphore(%run_scoped3A : memref<!tpu.dma_semaphore, #tpu.memory_space<semaphore_mem>>) src(%arg7 : memref<128xf32, #tpu.memory_space<vmem>>) dst(%dma_wait3A_19 : memref<10240xf32, #tpu.memory_space<vmem_shared>>)
        tpu.yield
      }) : () -> ()
    }
    %scan3A_5 = arith.constant 157 : i32
    %barrier3A_6 = arith.constant 0 : index
    tpu.barrier barrier_id(%barrier3A_6)
    %mul3A_7 = arith.constant 640 : i32
    %mul3A_8 = arith.muli %arg1, %mul3A_7 : i32
    "tpu.region"() ({
      %run_scoped3A = tpu.sem_alloc : memref<!tpu.dma_semaphore, #tpu.memory_space<semaphore_mem>>
      %dma_start3A = tpu.memref_slice %arg9[%mul3A_8] : memref<10240xf32, #tpu.memory_space<vmem_shared>> -> memref<640xf32, #tpu.memory_space<vmem_shared>>
      %dma_start3A_11 = tpu.memref_slice %arg9[%mul3A_8] : memref<10240xf32, #tpu.memory_space<vmem_shared>> -> memref<640xf32, #tpu.memory_space<vmem_shared>>
      tpu.enqueue_dma source(%dma_start3A_11 : memref<640xf32, #tpu.memory_space<vmem_shared>>) target(%arg8 : memref<640xf32, #tpu.memory_space<vmem>>) target_semaphore(%run_scoped3A : memref<!tpu.dma_semaphore, #tpu.memory_space<semaphore_mem>>)
      %dma_wait3A = tpu.memref_slice %arg9[%mul3A_8] : memref<10240xf32, #tpu.memory_space<vmem_shared>> -> memref<640xf32, #tpu.memory_space<vmem_shared>>
      %dma_wait3A_12 = tpu.memref_slice %arg9[%mul3A_8] : memref<10240xf32, #tpu.memory_space<vmem_shared>> -> memref<640xf32, #tpu.memory_space<vmem_shared>>
      tpu.wait_dma2 semaphore(%run_scoped3A : memref<!tpu.dma_semaphore, #tpu.memory_space<semaphore_mem>>) src(%dma_wait3A_12 : memref<640xf32, #tpu.memory_space<vmem_shared>>) dst(%arg8 : memref<640xf32, #tpu.memory_space<vmem>>)
      tpu.yield
    }) : () -> ()
    %mul3A_9 = arith.constant 640 : i32
    %mul3A_10 = arith.muli %arg1, %mul3A_9 : i32
    "tpu.region"() ({
      %run_scoped3A = tpu.sem_alloc : memref<!tpu.dma_semaphore, #tpu.memory_space<semaphore_mem>>
      %dma_start3A = tpu.memref_slice %arg5[%arg0, %mul3A_10] : memref<2x10240xf32, #tpu.memory_space<hbm>> -> memref<1x640xf32, #tpu.memory_space<hbm>>
      %dma_start3A_11 = tpu.memref_squeeze %dma_start3A : memref<1x640xf32, #tpu.memory_space<hbm>> -> memref<640xf32, #tpu.memory_space<hbm>>
      %dma_start3A_12 = tpu.memref_slice %arg5[%arg0, %mul3A_10] : memref<2x10240xf32, #tpu.memory_space<hbm>> -> memref<1x640xf32, #tpu.memory_space<hbm>>
      %dma_start3A_13 = tpu.memref_squeeze %dma_start3A_12 : memref<1x640xf32, #tpu.memory_space<hbm>> -> memref<640xf32, #tpu.memory_space<hbm>>
      tpu.enqueue_dma source(%arg8 : memref<640xf32, #tpu.memory_space<vmem>>) target(%dma_start3A_13 : memref<640xf32, #tpu.memory_space<hbm>>) target_semaphore(%run_scoped3A : memref<!tpu.dma_semaphore, #tpu.memory_space<semaphore_mem>>)
      %dma_wait3A = tpu.memref_slice %arg5[%arg0, %mul3A_10] : memref<2x10240xf32, #tpu.memory_space<hbm>> -> memref<1x640xf32, #tpu.memory_space<hbm>>
      %dma_wait3A_14 = tpu.memref_squeeze %dma_wait3A : memref<1x640xf32, #tpu.memory_space<hbm>> -> memref<640xf32, #tpu.memory_space<hbm>>
      %dma_wait3A_15 = tpu.memref_slice %arg5[%arg0, %mul3A_10] : memref<2x10240xf32, #tpu.memory_space<hbm>> -> memref<1x640xf32, #tpu.memory_space<hbm>>
      %dma_wait3A_16 = tpu.memref_squeeze %dma_wait3A_15 : memref<1x640xf32, #tpu.memory_space<hbm>> -> memref<640xf32, #tpu.memory_space<hbm>>
      tpu.wait_dma2 semaphore(%run_scoped3A : memref<!tpu.dma_semaphore, #tpu.memory_space<semaphore_mem>>) src(%arg8 : memref<640xf32, #tpu.memory_space<vmem>>) dst(%dma_wait3A_16 : memref<640xf32, #tpu.memory_space<hbm>>)
      tpu.yield
    }) : () -> ()
    return
  }
}

module attributes {stable_mosaic.version = 14 : i64} {
  func.func @_h_body(%arg0: i32, %arg1: memref<1000x128xf32, #tpu.memory_space<vmem>>, %arg2: memref<128x128xf32, #tpu.memory_space<vmem>>, %arg3: memref<1000x2xf32, #tpu.memory_space<vmem>>, %arg4: memref<1000x128xf32, #tpu.memory_space<vmem>>) attributes {dimension_semantics = [#tpu.dimension_semantics<arbitrary>], iteration_bounds = array<i64: 10>, scalar_prefetch = 0 : i64, scratch_operands = 0 : i64, tpu.core_type = #tpu.core_type<tc>, window_params = [{transform_indices = @transform_0, window_bounds = array<i64: 1000, 128>}, {pipeline_mode = #tpu.pipeline_mode<synchronous>, transform_indices = @transform_1, window_bounds = array<i64: 128, 128>}, {transform_indices = @transform_2, window_bounds = array<i64: 1000, 2>}, {transform_indices = @transform_3, window_bounds = array<i64: 1000, 128>}]} {
    %get3A = arith.constant 0 : index
    %get3A_0 = arith.constant 0 : index
    %get3A_1 = vector.load %arg3[%get3A, %get3A_0] : memref<1000x2xf32, #tpu.memory_space<vmem>>, vector<1000x1xf32>
    %gt3A = arith.constant 0.000000e+00 : f32
    %gt3A_2 = vector.broadcast %gt3A : f32 to vector<1000x1xf32>
    %gt3A_3 = arith.cmpf ogt, %get3A_1, %gt3A_2 : vector<1000x1xf32>
    %max3A = arith.constant 9.99999996E-13 : f32
    %max3A_4 = vector.broadcast %max3A : f32 to vector<1000x1xf32>
    %max3A_5 = arith.maximumf %get3A_1, %max3A_4 : vector<1000x1xf32>
    %rsqrt3A = math.rsqrt %max3A_5 : vector<1000x1xf32>
    %jit3A = arith.constant 0.000000e+00 : f32
    %broadcast_in_dim3A = vector.broadcast %jit3A : f32 to vector<1000x1xf32>
    %select_n3A = arith.select %gt3A_3, %rsqrt3A, %broadcast_in_dim3A : vector<1000x1xi1>, vector<1000x1xf32>
    %get3A_6 = arith.constant 0 : index
    %get3A_7 = arith.constant 0 : index
    %get3A_8 = vector.load %arg1[%get3A_6, %get3A_7] : memref<1000x128xf32, #tpu.memory_space<vmem>>, vector<1000x128xf32>
    %mul3A = vector.broadcast %select_n3A : vector<1000x1xf32> to vector<1000x128xf32>
    %mul3A_9 = arith.mulf %get3A_8, %mul3A : vector<1000x128xf32>
    %get3A_10 = arith.constant 0 : index
    %get3A_11 = arith.constant 0 : index
    %get3A_12 = vector.load %arg2[%get3A_10, %get3A_11] : memref<128x128xf32, #tpu.memory_space<vmem>>, vector<128x128xf32>
    %dot_general3A = arith.constant dense<0.000000e+00> : vector<1000x128xf32>
    %dot_general3A_13 = tpu.matmul %mul3A_9, %get3A_12, %dot_general3A {dimension_numbers = #tpu.dot_dimension_numbers<[1], [0], [0], [1], [0, 0, 1, 1], [], []>, transpose_lhs_hint = false} : vector<1000x128xf32>, vector<128x128xf32>, vector<1000x128xf32> -> vector<1000x128xf32>
    %swap3A = arith.constant 0 : index
    %swap3A_14 = arith.constant 0 : index
    %swap3A_15 = vector.load %arg4[%swap3A, %swap3A_14] : memref<1000x128xf32, #tpu.memory_space<vmem>>, vector<1000x128xf32>
    tpu.vector_store %arg4[%swap3A, %swap3A_14], %dot_general3A_13 {strides = array<i32>} : memref<1000x128xf32, #tpu.memory_space<vmem>>, vector<1000x128xf32>,
    return
  }
  func.func @transform_0(%arg0: i32) -> (i32, i32) {
    %c0_i32 = arith.constant 0 : i32
    %c0_i32_0 = arith.constant 0 : i32
    return %arg0, %c0_i32 : i32, i32
  }
  func.func @transform_1(%arg0: i32) -> (i32, i32) {
    %c0_i32 = arith.constant 0 : i32
    %c0_i32_0 = arith.constant 0 : i32
    %c0_i32_1 = arith.constant 0 : i32
    return %c0_i32, %c0_i32_0 : i32, i32
  }
  func.func @transform_2(%arg0: i32) -> (i32, i32) {
    %c0_i32 = arith.constant 0 : i32
    %c0_i32_0 = arith.constant 0 : i32
    return %arg0, %c0_i32 : i32, i32
  }
  func.func @transform_3(%arg0: i32) -> (i32, i32) {
    %c0_i32 = arith.constant 0 : i32
    %c0_i32_0 = arith.constant 0 : i32
    return %arg0, %c0_i32 : i32, i32
  }
}

module attributes {stable_mosaic.version = 14 : i64} {
  func.func @_adapter_body(%arg0: i32, %arg1: memref<2x1000x128xf32, #tpu.memory_space<vmem>>, %arg2: memref<1000x2xf32, #tpu.memory_space<vmem>>, %arg3: memref<8x128xf32, #tpu.memory_space<vmem>>, %arg4: memref<128x64xf32, #tpu.memory_space<vmem>>, %arg5: memref<8x64xf32, #tpu.memory_space<vmem>>, %arg6: memref<64x128xf32, #tpu.memory_space<vmem>>, %arg7: memref<8x128xf32, #tpu.memory_space<vmem>>, %arg8: memref<1000x128xf32, #tpu.memory_space<vmem>>) attributes {dimension_semantics = [#tpu.dimension_semantics<arbitrary>], iteration_bounds = array<i64: 10>, scalar_prefetch = 0 : i64, scratch_operands = 0 : i64, tpu.core_type = #tpu.core_type<tc>, window_params = [{transform_indices = @transform_0, window_bounds = array<i64: 2, 1000, 128>}, {transform_indices = @transform_1, window_bounds = array<i64: 1000, 2>}, {pipeline_mode = #tpu.pipeline_mode<synchronous>, transform_indices = @transform_2, window_bounds = array<i64: 8, 128>}, {pipeline_mode = #tpu.pipeline_mode<synchronous>, transform_indices = @transform_3, window_bounds = array<i64: 128, 64>}, {pipeline_mode = #tpu.pipeline_mode<synchronous>, transform_indices = @transform_4, window_bounds = array<i64: 8, 64>}, {pipeline_mode = #tpu.pipeline_mode<synchronous>, transform_indices = @transform_5, window_bounds = array<i64: 64, 128>}, {pipeline_mode = #tpu.pipeline_mode<synchronous>, transform_indices = @transform_6, window_bounds = array<i64: 8, 128>}, {transform_indices = @transform_7, window_bounds = array<i64: 1000, 128>}]} {
    %get3A = arith.constant 0 : index
    %get3A_0 = arith.constant 0 : index
    %get3A_1 = arith.constant 0 : index
    %get3A_2 = vector.load %arg1[%get3A, %get3A_0, %get3A_1] : memref<2x1000x128xf32, #tpu.memory_space<vmem>>, vector<1x1000x128xf32>
    %get3A_3 = vector.shape_cast %get3A_2 : vector<1x1000x128xf32> to vector<1000x128xf32>
    %get3A_4 = arith.constant 1 : index
    %get3A_5 = arith.constant 0 : index
    %get3A_6 = arith.constant 0 : index
    %get3A_7 = vector.load %arg1[%get3A_4, %get3A_5, %get3A_6] : memref<2x1000x128xf32, #tpu.memory_space<vmem>>, vector<1x1000x128xf32>
    %get3A_8 = vector.shape_cast %get3A_7 : vector<1x1000x128xf32> to vector<1000x128xf32>
    %add3A = arith.addf %get3A_3, %get3A_8 : vector<1000x128xf32>
    %get3A_9 = arith.constant 0 : index
    %get3A_10 = arith.constant 1 : index
    %get3A_11 = vector.load %arg2[%get3A_9, %get3A_10] : memref<1000x2xf32, #tpu.memory_space<vmem>>, vector<1000x1xf32>
    %gt3A = arith.constant 0.000000e+00 : f32
    %gt3A_12 = vector.broadcast %gt3A : f32 to vector<1000x1xf32>
    %gt3A_13 = arith.cmpf ogt, %get3A_11, %gt3A_12 : vector<1000x1xf32>
    %max3A = arith.constant 9.99999996E-13 : f32
    %max3A_14 = vector.broadcast %max3A : f32 to vector<1000x1xf32>
    %max3A_15 = arith.maximumf %get3A_11, %max3A_14 : vector<1000x1xf32>
    %rsqrt3A = math.rsqrt %max3A_15 : vector<1000x1xf32>
    %jit3A = arith.constant 0.000000e+00 : f32
    %broadcast_in_dim3A = vector.broadcast %jit3A : f32 to vector<1000x1xf32>
    %select_n3A = arith.select %gt3A_13, %rsqrt3A, %broadcast_in_dim3A : vector<1000x1xi1>, vector<1000x1xf32>
    %mul3A = vector.broadcast %select_n3A : vector<1000x1xf32> to vector<1000x128xf32>
    %mul3A_16 = arith.mulf %add3A, %mul3A : vector<1000x128xf32>
    %get3A_17 = arith.constant 0 : index
    %get3A_18 = arith.constant 0 : index
    %get3A_19 = vector.load %arg3[%get3A_17, %get3A_18] : memref<8x128xf32, #tpu.memory_space<vmem>>, vector<1x128xf32>
    %add3A_20 = vector.broadcast %get3A_19 : vector<1x128xf32> to vector<1000x128xf32>
    %add3A_21 = arith.addf %mul3A_16, %add3A_20 : vector<1000x128xf32>
    %get3A_22 = arith.constant 0 : index
    %get3A_23 = arith.constant 0 : index
    %get3A_24 = vector.load %arg4[%get3A_22, %get3A_23] : memref<128x64xf32, #tpu.memory_space<vmem>>, vector<128x64xf32>
    %dot_general3A = arith.constant dense<0.000000e+00> : vector<1000x64xf32>
    %dot_general3A_25 = tpu.matmul %add3A_21, %get3A_24, %dot_general3A {dimension_numbers = #tpu.dot_dimension_numbers<[1], [0], [0], [1], [0, 0, 1, 1], [], []>, transpose_lhs_hint = false} : vector<1000x128xf32>, vector<128x64xf32>, vector<1000x64xf32> -> vector<1000x64xf32>
    %get3A_26 = arith.constant 0 : index
    %get3A_27 = arith.constant 0 : index
    %get3A_28 = vector.load %arg5[%get3A_26, %get3A_27] : memref<8x64xf32, #tpu.memory_space<vmem>>, vector<1x64xf32>
    %add3A_29 = vector.broadcast %get3A_28 : vector<1x64xf32> to vector<1000x64xf32>
    %add3A_30 = arith.addf %dot_general3A_25, %add3A_29 : vector<1000x64xf32>
    %integer_pow3A = arith.mulf %add3A_30, %add3A_30 : vector<1000x64xf32>
    %integer_pow3A_31 = arith.mulf %add3A_30, %integer_pow3A : vector<1000x64xf32>
    %mul3A_32 = arith.constant 4.471500e-02 : f32
    %mul3A_33 = vector.broadcast %mul3A_32 : f32 to vector<1000x64xf32>
    %mul3A_34 = arith.mulf %mul3A_33, %integer_pow3A_31 : vector<1000x64xf32>
    %add3A_35 = arith.addf %add3A_30, %mul3A_34 : vector<1000x64xf32>
    %mul3A_36 = arith.constant 0.797884583 : f32
    %mul3A_37 = vector.broadcast %mul3A_36 : f32 to vector<1000x64xf32>
    %mul3A_38 = arith.mulf %mul3A_37, %add3A_35 : vector<1000x64xf32>
    %tanh3A = math.tanh %mul3A_38 : vector<1000x64xf32>
    %add3A_39 = arith.constant 1.000000e+00 : f32
    %add3A_40 = vector.broadcast %add3A_39 : f32 to vector<1000x64xf32>
    %add3A_41 = arith.addf %add3A_40, %tanh3A : vector<1000x64xf32>
    %mul3A_42 = arith.constant 5.000000e-01 : f32
    %mul3A_43 = vector.broadcast %mul3A_42 : f32 to vector<1000x64xf32>
    %mul3A_44 = arith.mulf %mul3A_43, %add3A_41 : vector<1000x64xf32>
    %mul3A_45 = arith.mulf %add3A_30, %mul3A_44 : vector<1000x64xf32>
    %get3A_46 = arith.constant 0 : index
    %get3A_47 = arith.constant 0 : index
    %get3A_48 = vector.load %arg6[%get3A_46, %get3A_47] : memref<64x128xf32, #tpu.memory_space<vmem>>, vector<64x128xf32>
    %dot_general3A_49 = arith.constant dense<0.000000e+00> : vector<1000x128xf32>
    %dot_general3A_50 = tpu.matmul %mul3A_45, %get3A_48, %dot_general3A_49 {dimension_numbers = #tpu.dot_dimension_numbers<[1], [0], [0], [1], [0, 0, 1, 1], [], []>, transpose_lhs_hint = false} : vector<1000x64xf32>, vector<64x128xf32>, vector<1000x128xf32> -> vector<1000x128xf32>
    %get3A_51 = arith.constant 0 : index
    %get3A_52 = arith.constant 0 : index
    %get3A_53 = vector.load %arg7[%get3A_51, %get3A_52] : memref<8x128xf32, #tpu.memory_space<vmem>>, vector<1x128xf32>
    %add3A_54 = vector.broadcast %get3A_53 : vector<1x128xf32> to vector<1000x128xf32>
    %add3A_55 = arith.addf %dot_general3A_50, %add3A_54 : vector<1000x128xf32>
    %add3A_56 = arith.addf %add3A_55, %add3A_21 : vector<1000x128xf32>
    %swap3A = arith.constant 0 : index
    %swap3A_57 = arith.constant 0 : index
    %swap3A_58 = vector.load %arg8[%swap3A, %swap3A_57] : memref<1000x128xf32, #tpu.memory_space<vmem>>, vector<1000x128xf32>
    tpu.vector_store %arg8[%swap3A, %swap3A_57], %add3A_56 {strides = array<i32>} : memref<1000x128xf32, #tpu.memory_space<vmem>>, vector<1000x128xf32>,
    return
  }
  func.func @transform_0(%arg0: i32) -> (i32, i32, i32) {
    %c0_i32 = arith.constant 0 : i32
    %c0_i32_0 = arith.constant 0 : i32
    %c0_i32_1 = arith.constant 0 : i32
    return %c0_i32, %arg0, %c0_i32_0 : i32, i32, i32
  }
  func.func @transform_1(%arg0: i32) -> (i32, i32) {
    %c0_i32 = arith.constant 0 : i32
    %c0_i32_0 = arith.constant 0 : i32
    return %arg0, %c0_i32 : i32, i32
  }
  func.func @transform_2(%arg0: i32) -> (i32, i32) {
    %c0_i32 = arith.constant 0 : i32
    %c0_i32_0 = arith.constant 0 : i32
    %c0_i32_1 = arith.constant 0 : i32
    return %c0_i32, %c0_i32_0 : i32, i32
  }
  func.func @transform_3(%arg0: i32) -> (i32, i32) {
    %c0_i32 = arith.constant 0 : i32
    %c0_i32_0 = arith.constant 0 : i32
    %c0_i32_1 = arith.constant 0 : i32
    return %c0_i32, %c0_i32_0 : i32, i32
  }
  func.func @transform_4(%arg0: i32) -> (i32, i32) {
    %c0_i32 = arith.constant 0 : i32
    %c0_i32_0 = arith.constant 0 : i32
    %c0_i32_1 = arith.constant 0 : i32
    return %c0_i32, %c0_i32_0 : i32, i32
  }
  func.func @transform_5(%arg0: i32) -> (i32, i32) {
    %c0_i32 = arith.constant 0 : i32
    %c0_i32_0 = arith.constant 0 : i32
    %c0_i32_1 = arith.constant 0 : i32
    return %c0_i32, %c0_i32_0 : i32, i32
  }
  func.func @transform_6(%arg0: i32) -> (i32, i32) {
    %c0_i32 = arith.constant 0 : i32
    %c0_i32_0 = arith.constant 0 : i32
    %c0_i32_1 = arith.constant 0 : i32
    return %c0_i32, %c0_i32_0 : i32, i32
  }
  func.func @transform_7(%arg0: i32) -> (i32, i32) {
    %c0_i32 = arith.constant 0 : i32
    %c0_i32_0 = arith.constant 0 : i32
    return %arg0, %c0_i32 : i32, i32
  }
}

</mosaic_0001>

<sc_bundles>
// kernel: kernel.6.cloned.1.call-start
scs
__scs_entry_jumppad:
0x0: {  	(pc) =	sbr.rel $0x88, $3  }
0x1: {  	(tag) =	ssettag $0x0;
	lr =	simm.s32 $0x1  }
0x2: {  	[smem:$0x3F99] =	sst lr;
	_ =	strace $0xD0000000  }
0x3: {  	_ = 	snop  }
0x4: {  	_ = 	snop  }
0x5: {  	_ = 	snop  }
0x6: {  	_ = 	snop  }
0x7: {  	_ = 	snop  }
__scs_overlays_trampoline_lowered:
0x8: {  	[smem:$0x3FA8] =	sst s0  }
0x9: {  	[smem:$0x3FA9] =	sst s1  }
0xa: {  	[smem:$0x3FAA] =	sst s2  }
0xb: {  	[smem:$0x3FAB] =	sst s3  }
0xc: {  	[smem:$0x3FAC] =	sst s4  }
0xd: {  	[smem:$0x3FAD] =	sst s5  }
0xe: {  	[smem:$0x3FAE] =	sst s6  }
0xf: {  	[smem:$0x3FAF] =	sst s7  }
0x10: {  	[smem:$0x3FB0] =	sst s8  }
0x11: {  	[smem:$0x3FB1] =	sst s9;
	s0 =	simm.s32 @!p0 $0x0  }
0x12: {  	s1 =	sld [smem:$0x3F97];
	s0 =	simm.s32 @p0 $0x1  }
0x13: {  	[smem:$0x3FB2] =	sst s0;
	s0 =	simm.s32 @!p1 $0x0  }
0x14: {  	s2 =	sld [smem:$0x3F96];
	s0 =	simm.s32 @p1 $0x1  }
0x15: {  	[smem:$0x3FB3] =	sst s0;
	s0 =	simm.s32 @!p2 $0x0  }
0x16: {  	s3 =	sld [smem:$0x3FDB];
	s0 =	simm.s32 @p2 $0x1  }
0x17: {  	s4 =	simm.s32 $0x1BF5;
	[smem:$0x3FB5] =	sst s0  }
0x18: {  	s0 =	sld [smem:$0x3F98];
	_ =	swait.ge [sflag:s4], $0x0  }
0x19: {  	s7 =	sld [smem:$0x3F99]  }
0x1a: {  	s8 =	sadd.s32 $0xFFFFE003, lr  }
0x1b: {  	s9 =	sadd.s32 $0xFFFFFEF7, lr;
	s5 =	simm.s32 $0xFFFFFFFF;
	p2 =	slt.u32 s8, $0xFFFFF086  }
0x1c: {  	p1 =	slt.u32 s9, $0xF7A;
	s5 =	simm.s32 @!p2 $0x0  }
0x1d: {  	s5 =	simm.s32 @p1 $0x1;
	p0 =	seq.s32 s7, s2  }
0x1e: {  	s7 =	smul.u32 @!p0 $0xF7A, s2;
	p2 =	seq.s32 @!p0 s5, $0x0  }
0x1f: {  	s9 =	smul.u32 $0xF7A, s1;
	s8 =	simm.s32 @!p0 $0x1BF5;
	p2 =	por !p2, p0  }
0x20: {  	[sflag:s8] =	ssyncset.s32 @!p0 $0xFFFFF086;
	s6 =	sadd.s32 @!p0 s3, s7;
	s7 =	simm.s32 @!p0 $0x108  }
0x21: {  	s3 =	sadd.s32 s3, s9;
	s6 =	sadd.s32 @!p0 $0x88, s6;
	s7 =	simm.s32 @p2 $0x1082  }
0x22: {  	[simem:s7], [sflag:s8] =	dma.local @!p0 [hbm:s6], $0xF7A  }
0x23: {  	s9 =	sor.u32 $0xD0000000, s2;
	s6 =	simm.s32 $0x108;
	_ =	swait.ge @!p0 [sflag:s8], $0x0  }
0x24: {  	s3 =	sadd.s32 $0x88, s3;
	s6 =	simm.s32 @!p1 $0x1082;
	[sflag:s4] =	ssyncset.s32 $0xFFFFF086  }
0x25: {  	[simem:s6], [sflag:s4] =	dma.local [hbm:s3], $0xF7A  }
0x26: {  	[smem:$0x3F99] =	sst s1;
	(tag) =	ssettag s2;
	_ =	strace s9  }
0x27: {  	s1 =	sld [smem:$0x3FA9]  }
0x28: {  	s2 =	sld [smem:$0x3FAA]  }
0x29: {  	s4 =	sld [smem:$0x3FAC]  }
0x2a: {  	p0 =	seq.s32 s5, $0x0;
	s5 =	sld [smem:$0x3FAD]  }
0x2b: {  	s6 =	sld [smem:$0x3FAE]  }
0x2c: {  	s7 =	sld [smem:$0x3FAF]  }
0x2d: {  	s3 =	simm.s32 $0x108;
	s8 =	sld [smem:$0x3FB0]  }
0x2e: {  	s3 =	simm.s32 @!p0 $0x1082;
	s9 =	sld [smem:$0x3FB1]  }
0x2f: {  	lr =	sadd.s32 s0, s3;
	s0 =	sld [smem:$0x3FA8]  }
0x30: {  	s3 =	sld [smem:$0x3FAB]  }
0x31: {  	[smem:$0x3FB4] =	sst s10  }
0x32: {  	s10 =	sld [smem:$0x3FB2];
	_ =	sdelay $0x3  }
0x33: {  	p0 =	seq.s32 s10, $0x1;
	s10 =	sld [smem:$0x3FB4];
	_ =	sdelay $0x3  }
0x34: {  	[smem:$0x3FB4] =	sst s10  }
0x35: {  	s10 =	sld [smem:$0x3FB3];
	_ =	sdelay $0x3  }
0x36: {  	p1 =	seq.s32 s10, $0x1;
	s10 =	sld [smem:$0x3FB4];
	_ =	sdelay $0x3  }
0x37: {  	[smem:$0x3FB4] =	sst s10  }
0x38: {  	s10 =	sld [smem:$0x3FB5]  }
0x39: {  	_ = 	snop;
	(pc) =	sbr.ind lr, $3  }
0x3a: {  	_ = 	snop  }
0x3b: {  	_ = 	snop  }
0x3c: {  	p2 =	seq.s32 s10, $0x1;
	s10 =	sld [smem:$0x3FB4]  }
0x3d: {  	_ =	shalt  }
0x3e: {  	_ =	shalt  }
0x3f: {  	_ =	shalt  }
0x40: {  	_ =	shalt  }
0x41: {  	_ =	shalt  }
0x42: {  	_ =	shalt  }
0x43: {  	_ =	shalt  }
0x44: {  	_ =	shalt  }
0x45: {  	_ =	shalt  }
0x46: {  	_ =	shalt  }
0x47: {  	_ =	shalt  }
0x48: {  	_ =	shalt  }
0x49: {  	_ =	shalt  }
0x4a: {  	_ =	shalt  }
0x4b: {  	_ =	shalt  }
0x4c: {  	_ =	shalt  }
0x4d: {  	_ =	shalt  }
0x4e: {  	_ =	shalt  }
0x4f: {  	_ =	shalt  }
0x50: {  	_ =	shalt  }
0x51: {  	_ =	shalt  }
0x52: {  	_ =	shalt  }
0x53: {  	_ =	shalt  }
0x54: {  	_ =	shalt  }
0x55: {  	_ =	shalt  }
0x56: {  	_ =	shalt  }
0x57: {  	_ =	shalt  }
0x58: {  	_ =	shalt  }
0x59: {  	_ =	shalt  }
0x5a: {  	_ =	shalt  }
0x5b: {  	_ =	shalt  }
0x5c: {  	_ =	shalt  }
0x5d: {  	_ =	shalt  }
0x5e: {  	_ =	shalt  }
0x5f: {  	_ =	shalt  }
0x60: {  	_ =	shalt  }
0x61: {  	_ =	shalt  }
0x62: {  	_ =	shalt  }
0x63: {  	_ =	shalt  }
0x64: {  	_ =	shalt  }
0x65: {  	_ =	shalt  }
0x66: {  	_ =	shalt  }
0x67: {  	_ =	shalt  }
0x68: {  	_ =	shalt  }
0x69: {  	_ =	shalt  }
0x6a: {  	_ =	shalt  }
0x6b: {  	_ =	shalt  }
0x6c: {  	_ =	shalt  }
0x6d: {  	_ =	shalt  }
0x6e: {  	_ =	shalt  }
0x6f: {  	_ =	shalt  }
0x70: {  	_ =	shalt  }
0x71: {  	_ =	shalt  }
0x72: {  	_ =	shalt  }
0x73: {  	_ =	shalt  }
0x74: {  	_ =	shalt  }
0x75: {  	_ =	shalt  }
0x76: {  	_ =	shalt  }
0x77: {  	_ =	shalt  }
0x78: {  	_ =	shalt  }
0x79: {  	_ =	shalt  }
0x7a: {  	_ =	shalt  }
0x7b: {  	_ =	shalt  }
0x7c: {  	_ =	shalt  }
0x7d: {  	_ =	shalt  }
0x7e: {  	_ =	shalt  }
0x7f: {  	_ =	shalt  }
0x80: {  	_ =	shalt  }
0x81: {  	_ =	shalt  }
0x82: {  	_ =	shalt  }
0x83: {  	_ =	shalt  }
0x84: {  	_ =	shalt  }
0x85: {  	_ =	shalt  }
0x86: {  	_ =	shalt  }
0x87: {  	_ =	shalt  }
.Lfunc_end0:
.L_simem_size_0:
called_computation_lowered:
.L_overlay_start_0:
0x88: {  	s2 =	sld [smem:$0x3FD9]  }
0x89: {  	s3 =	sld [smem:$0x3FFE];
	_ =	sdelay $0x1  }
0x8a: {  	s1 =	srdreg.scid  }
0x8b: {  	s0 =	sand.u32 $0x1, s1  }
0x8c: {  	s17 =	sshll.u32 s0, $0xA;
	s2 =	sadd.s32 s3, s2  }
0x8d: {  	s2 =	sadd.s32 s2, s17  }
0x8e: {  	[smem:$0x3FC0] =	sst s2  }
0x8f: {  	_ = 	snop  }
0x90: {  	s2 =	sld [smem:$0x3FD0];
	(tm) =	ssettm $0x1  }
0x91: {  	s18 =	sld [smem:$0x3FFB];
	_ =	sdelay $0x3  }
0x92: {  	_ =	strace s18  }
0x93: {  	s3 =	sld [smem:$0x3FFC];
	_ =	sdelay $0x3  }
0x94: {  	_ =	strace s3  }
0x95: {  	s3 =	sld [smem:$0x3FFD];
	_ =	sdelay $0x3  }
0x96: {  	_ =	strace s3  }
0x97: {  	_ =	strace $0x8FFFFFFF  }
0x98: {  	s19 =	sld [smem:$0x3FDB];
	_ =	sdelay $0x1  }
0x99: {  	s4 =	simm.s32 $_scs_section_size  }
0x9a: {  	s5 =	simm.s32 $_size__tile_overlayer_lowered;
	s6 =	simm.s32 $_tile_overlayer_lowered  }
0x9b: {  	s22 =	simm.s32 $0x1BFF;
	s21 =	sshll.u32 s6, $0x1;
	s3 =	sadd.s32 s4, s19  }
0x9c: {  	s7 =	simm.s32 $0x0;
	s20 =	sshll.u32 s5, $0x1;
	s5 =	sadd.s32 s21, s3  }
0x9d: {  	[timem:s7], [sflag:s22] =	dma.local [hbm:s5], s20  }
0x9e: {  	_ =	swait.ge [sflag:s22], s20  }
0x9f: {  	s4 =	ssub.s32 $0x0, s20;
	[sflag:s22] =	ssyncset.done $0x0  }
0xa0: {  	[sflag:s22] =	ssyncadd.s32 s4;
	_ =	sdelay $0x1  }
0xa1: {  	s23 =	simm.s32 $0x1B8B  }
0xa2: {  	_ =	swait.ge [sflag:s23], $0x1  }
0xa3: {  	[sflag:s23] =	ssyncset.done $0x0  }
0xa4: {  	s25 =	simm.s32 $0x1B8E;
	s24 =	sld [smem:$0x3FFE];
	[sflag:s23] =	ssyncadd.s32 $0xFFFFFFFF  }
0xa5: {  	s26 =	simm.s32 $execute0_lowered;
	[smem:$0x3FD2] =	sst s25  }
0xa6: {  	s5 =	sshll.u32 s26, $0x1;
	_ =	strace $0x80000046;
	[dreg:$0x1] =	wrdreg $0xFFFFFFFF  }
0xa7: {  	s28 =	simm.s32 $_size_execute0_lowered;
	s3 =	sadd.s32 s3, s5;
	[dreg:$0x0] =	wrdreg $0x0  }
0xa8: {  	s5 =	sshll.u32 s28, $0x1;
	[dreg:$0x2] =	wrdreg s3  }
0xa9: {  	[dreg:$0x3] =	wrdreg s5  }
0xaa: {  	[dreg:$0x4] =	wrdreg $0xC0  }
0xab: {  	_ =	task [dreg:s7], $0x5FFFF  }
0xac: {  	[dreg:$0x1] =	wrdreg $0xFFFFFFFF  }
0xad: {  	[dreg:$0x0] =	wrdreg $0x60  }
0xae: {  	[dreg:$0x2] =	wrdreg s2  }
0xaf: {  	[dreg:$0x3] =	wrdreg s24  }
0xb0: {  	[dreg:$0x4] =	wrdreg $0x53000  }
0xb1: {  	[dreg:$0x5] =	wrdreg $0x9  }
0xb2: {  	_ =	task.clear_ibuf [dreg:s7], $0x6FFFF;
	_ =	strace $0x90000046  }
0xb3: {  	s29 =	simm.s32 $0x9;
	_ =	strace $0x80000048  }
0xb4: {  	_ =	swait.ge [sflag:s29], $0x1  }
0xb5: {  	[sflag:s29] =	ssyncadd.s32 $0xFFFFFFFF  }
0xb6: {  	_ =	strace $0x90000048  }
0xb7: {  	_ =	sfence  }
0xb8: {  	s30 =	sld [smem:$0x0];
	_ =	sdelay $0x2  }
0xb9: {  	s31 =	sshll.u32 s1, $0xD;
	s1 =	sshrl.u32 s1, $0x2  }
0xba: {  	s3 =	sand.u32 $0x4000, s31;
	s1 =	sadd.s32 s1, s30  }
0xbb: {  	s0 =	sor.u32 s3, s0;
	s1 =	sshll.u32 s1, $0x11  }
0xbc: {  	s0 =	sor.u32 s1, s0  }
0xbd: {  	s0 =	sadd.s32 $0x8F2B, s0  }
0xbe: {  	[sflag:s0] =	ssyncadd.remote.s32 $0x1  }
0xbf: {  	_ =	sfence.sel $0xFFFF  }
0xc0: {  	[dreg:$0x0] =	wrdreg $0xFFFFFFFF;
	(pc) =	sbr.abs _section_cstart, $3  }
0xc1: {  	[dreg:$0x1] =	wrdreg $0xFFFFFFFF  }
0xc2: {  	_ =	task.clear_ibuf [dreg:s7], $0x2FFFF;
	_ =	strace $0x9FFFFFFF  }
0xc3: {  	(tm) =	ssettm $0x7FFFFFFF  }
tec
execute0_lowered:
.L_overlay_start_1:
0x0: {  	(tag) =	ssettag $0x1  }
0x1: {  	s6 =	rddreg [dreg:$0x0]  }
0x2: {  	s7 =	rddreg [dreg:$0x1]  }
0x3: {  	s2 =	rddreg [dreg:$0x2]  }
0x4: {  	s0 =	rddreg [dreg:$0x3]  }
0x5: {  	s4 =	srdreg.scid;
	s1 =	stileid.u32  }
0x6: {  	s3 =	simm.s32 $0x0;
	s13 =	simm.s32 $0x80;
	s28 =	smul.u32 $0x500, s1  }
0x7: {  	s14 =	simm.s32 $0x100;
	s15 =	simm.s32 $0x0;
	s11 =	smul.u32 $0x5000, s1  }
0x8: {  	s8 =	sand.u32 $0x1, s4;
	[smem:$0x7FF] =	sst s3;
	s29 =	smul.u32 $0xA00, s1  }
0x9: {  	s4 =	sadd.s32 $0x1200, s7;
	s5 =	sshll.u32 s8, $0x7;
	s9 =	smul.u32 $0x50000, s8  }
0xa: {  	_ =	strace $0x80000047;
	s8 =	ssub.s32 $0x2, s8;
	s10 =	sor.u32 s5, s28  }
0xb: {  	s5 =	sadd.s32 $0x1000, s7;
	s30 =	sshrl.u32 s8, $0x1;
	s31 =	sshrl.u32 s29, $0x2  }
0xc: {  	s10 =	sshrl.u32 s10, $0x3;
	s9 =	sadd.s32 s11, s9;
	s12 =	ssub.s32 s8, s30  }
0xd: {  	s11 =	simm.s32 $0x1;
	s10 =	sadd.s32 s10, s7;
	s9 =	sshrl.u32 s9, $0x3  }
0xe: {  	s7 =	sadd.s32 s31, s2;
	s6 =	sadd.s32 s6, s9;
	s8 =	sadd.s32 $0x1400, s10  }
0xf: {  	s9 =	smax.u32 s12, $0x1;
	s10 =	simm.s32 $0x5000;
	s12 =	simm.s32 $0x5080  }
.LBB2_1:
0x10: {  	[tilespmem:s10], [sflag:$0x1] =	stream.linear.gather [hbm4b:s4+s3], $0x80, $0x38;
	[tilespmem:$0x5580] =	vst v63  }
0x11: {  	_ =	swait.ge [sflag:s11], $0x80  }
0x12: {  	[sflag:s11] =	ssyncset.done $0x0  }
0x13: {  	[sflag:s11] =	ssyncadd.s32 $0xFFFFFF80  }
0x14: {  	[tilespmem:s12], [sflag:$0x1] =	stream.linear.gather [hbm4b:s5+s3], $0x280, $0x38;
	[tilespmem:$0x5580] =	vst v63  }
0x15: {  	_ =	swait.ge [sflag:s11], $0x280  }
0x16: {  	[sflag:s11] =	ssyncset.done $0x0  }
0x17: {  	[sflag:s11] =	ssyncadd.s32 $0xFFFFFD80  }
0x18: {  	[tilespmem:s3], [sflag:$0x1] =	stream.linear.gather [hbm4b:s6+s3], $0x4E80, $0x38;
	[tilespmem:$0x5580] =	vst v63  }
0x19: {  	_ =	swait.ge [sflag:s11], $0x4E80  }
0x1a: {  	[sflag:s11] =	ssyncset.done $0x0  }
0x1b: {  	[sflag:s11] =	ssyncadd.s32 $0xFFFFB180  }
0x1c: {  	[spmem:s7] =	stream.linear.scatter [tilespmem:s12], [sflag:$0x1], $0x280, $0x38;
	[tilespmem:$0x5580] =	vst v63  }
0x1d: {  	_ =	swait.ge [sflag:s11], $0x280  }
0x1e: {  	[sflag:s11] =	ssyncset.done $0x0  }
0x1f: {  	[sflag:s11] =	ssyncadd.s32 $0xFFFFFD80  }
0x20: {  	s16 =	simm.s32 $0x0;
	[bflag:$0x0] =	sbarrier.arrive $0xFFFF  }
0x21: {  	[spmem:s2] =	stream.indirect.scatter.add.f32 [tilespmem:s10], [sflag:$0x1], $0x1, s16, s13, $0xb8;
	[tilespmem:$0x5580] =	vst v63  }
0x22: {  	_ =	swait.ge [sflag:s11], $0x80  }
0x23: {  	s16 =	simm.s32 $0x200;
	[sflag:s11] =	ssyncset.done $0x0  }
.LBB2_2:
0x24: {  	s17 =	sshra.s32 s16, $0x2;
	[sflag:s11] =	ssyncadd.s32 $0xFFFFFF80;
	p0 =	sne.s32 s16, $0x13800  }
0x25: {  	[spmem:s2] =	stream.indirect.scatter.add.f32 [tilespmem:s10], [sflag:$0x1], $0x1, s17, s13, $0xb8;
	[tilespmem:$0x5580] =	vst v63  }
.Ltmp0:
0x26: {  	_ = 	snop;
	(pc) =	sbr.rel @p0 .LBB2_2-.Ltmp0, $4  }
0x27: {  	_ = 	snop  }
0x28: {  	s16 =	sadd.s32 $0x200, s16  }
0x29: {  	_ =	swait.ge [sflag:s11], $0x80  }
0x2a: {  	[sflag:s11] =	ssyncset.done $0x0  }
0x2b: {  	[sflag:s11] =	ssyncadd.s32 $0xFFFFFF80  }
0x2c: {  	[bflag:$0x0] =	sbarrier.arrive $0xFFFF  }
0x2d: {  	[tilespmem:s12], [sflag:$0x1] =	stream.linear.gather [spmem:s7], $0x280, $0x38;
	[tilespmem:$0x5580] =	vst v63  }
0x2e: {  	s15 =	sadd.s32 $0x1, s15;
	_ =	swait.ge [sflag:s11], $0x280  }
0x2f: {  	p0 =	sne.s32 s15, s9;
	[sflag:s11] =	ssyncset.done $0x0  }
.Ltmp1:
0x30: {  	[sflag:s11] =	ssyncadd.s32 $0xFFFFFD80;
	(pc) =	sbr.rel @p0 .LBB2_1-.Ltmp1, $4  }
0x31: {  	[hbm4b:s8+s13] =	stream.strided.scatter [tilespmem:s12], [sflag:$0x1], $0x280, s14, s13, $0x38;
	[tilespmem:$0x5580] =	vst v63  }
0x32: {  	_ =	swait.ge [sflag:s11], $0x280  }
0x33: {  	[sflag:s11] =	ssyncset.done $0x0  }
0x34: {  	[sflag:s11] =	ssyncadd.s32 $0xFFFFFD80  }
0x35: {  	_ =	sfence.sel $0x180000  }
0x36: {  	[bflag:$0x0] =	sbarrier.arrive $0xFFFF  }
0x37: {  	p0 =	sne.s32 s1, $0x0;
	_ =	strace $0x90000047  }
0x38: {  	s0 =	sadd.s32 @!p0 $0x100000, s0;
	[bflag:$0x2] =	sbarrier.arrive $0xFFFF  }
0x39: {  	[sflag:s0] =	ssyncadd.tile.s32 @!p0 $0x1;
	_ =	shalt  }
.Lfunc_end2:
_tile_overlayer_lowered:
.L_overlay_start_2:
0x3a: {  	(tag) =	ssettag $0x2  }
0x3b: {  	s0 =	rddreg [dreg:$0x0];
	s2 =	stileid.u32  }
0x3c: {  	s1 =	rddreg [dreg:$0x1];
	p0 =	sne.s32 s2, $0x0  }
0x3d: {  	s3 =	rddreg [dreg:$0x2];
	[bflag:$0x3] =	sbarrier.arrive $0xFFFF;
	s2 =	simm.s32 @!p0 $0x1C01  }
0x3e: {  	[timem:s3], [sflag:s2] =	dma.local @!p0 [hbm:s0], s1  }
0x3f: {  	s0 =	simm.s32 @!p0 $0x1  }
0x40: {  	_ =	swait.ge @!p0 [sflag:s0], s1  }
0x41: {  	s1 =	ssub.s32 @!p0 $0x0, s1;
	[sflag:s0] =	ssyncset.done @!p0 $0x0  }
0x42: {  	[sflag:s0] =	ssyncadd.s32 @!p0 s1  }
0x43: {  	[bflag:$0x3] =	sbarrier.arrive $0xFFFF  }
0x44: {  	_ =	shalt  }

// kernel: kernel.9.cloned.1.call-start
scs
__scs_entry_jumppad:
0x0: {  	(pc) =	sbr.rel $0x88, $3  }
0x1: {  	(tag) =	ssettag $0x0;
	lr =	simm.s32 $0x1  }
0x2: {  	[smem:$0x3F99] =	sst lr;
	_ =	strace $0xD0000000  }
0x3: {  	_ = 	snop  }
0x4: {  	_ = 	snop  }
0x5: {  	_ = 	snop  }
0x6: {  	_ = 	snop  }
0x7: {  	_ = 	snop  }
__scs_overlays_trampoline_lowered:
0x8: {  	[smem:$0x3FA8] =	sst s0  }
0x9: {  	[smem:$0x3FA9] =	sst s1  }
0xa: {  	[smem:$0x3FAA] =	sst s2  }
0xb: {  	[smem:$0x3FAB] =	sst s3  }
0xc: {  	[smem:$0x3FAC] =	sst s4  }
0xd: {  	[smem:$0x3FAD] =	sst s5  }
0xe: {  	[smem:$0x3FAE] =	sst s6  }
0xf: {  	[smem:$0x3FAF] =	sst s7  }
0x10: {  	[smem:$0x3FB0] =	sst s8  }
0x11: {  	[smem:$0x3FB1] =	sst s9;
	s0 =	simm.s32 @!p0 $0x0  }
0x12: {  	s1 =	sld [smem:$0x3F97];
	s0 =	simm.s32 @p0 $0x1  }
0x13: {  	[smem:$0x3FB2] =	sst s0;
	s0 =	simm.s32 @!p1 $0x0  }
0x14: {  	s2 =	sld [smem:$0x3F96];
	s0 =	simm.s32 @p1 $0x1  }
0x15: {  	[smem:$0x3FB3] =	sst s0;
	s0 =	simm.s32 @!p2 $0x0  }
0x16: {  	s3 =	sld [smem:$0x3FDB];
	s0 =	simm.s32 @p2 $0x1  }
0x17: {  	s4 =	simm.s32 $0x1BF5;
	[smem:$0x3FB5] =	sst s0  }
0x18: {  	s0 =	sld [smem:$0x3F98];
	_ =	swait.ge [sflag:s4], $0x0  }
0x19: {  	s7 =	sld [smem:$0x3F99]  }
0x1a: {  	s8 =	sadd.s32 $0xFFFFE003, lr  }
0x1b: {  	s9 =	sadd.s32 $0xFFFFFEF7, lr;
	s5 =	simm.s32 $0xFFFFFFFF;
	p2 =	slt.u32 s8, $0xFFFFF086  }
0x1c: {  	p1 =	slt.u32 s9, $0xF7A;
	s5 =	simm.s32 @!p2 $0x0  }
0x1d: {  	s5 =	simm.s32 @p1 $0x1;
	p0 =	seq.s32 s7, s2  }
0x1e: {  	s7 =	smul.u32 @!p0 $0xF7A, s2;
	p2 =	seq.s32 @!p0 s5, $0x0  }
0x1f: {  	s9 =	smul.u32 $0xF7A, s1;
	s8 =	simm.s32 @!p0 $0x1BF5;
	p2 =	por !p2, p0  }
0x20: {  	[sflag:s8] =	ssyncset.s32 @!p0 $0xFFFFF086;
	s6 =	sadd.s32 @!p0 s3, s7;
	s7 =	simm.s32 @!p0 $0x108  }
0x21: {  	s3 =	sadd.s32 s3, s9;
	s6 =	sadd.s32 @!p0 $0x88, s6;
	s7 =	simm.s32 @p2 $0x1082  }
0x22: {  	[simem:s7], [sflag:s8] =	dma.local @!p0 [hbm:s6], $0xF7A  }
0x23: {  	s9 =	sor.u32 $0xD0000000, s2;
	s6 =	simm.s32 $0x108;
	_ =	swait.ge @!p0 [sflag:s8], $0x0  }
0x24: {  	s3 =	sadd.s32 $0x88, s3;
	s6 =	simm.s32 @!p1 $0x1082;
	[sflag:s4] =	ssyncset.s32 $0xFFFFF086  }
0x25: {  	[simem:s6], [sflag:s4] =	dma.local [hbm:s3], $0xF7A  }
0x26: {  	[smem:$0x3F99] =	sst s1;
	(tag) =	ssettag s2;
	_ =	strace s9  }
0x27: {  	s1 =	sld [smem:$0x3FA9]  }
0x28: {  	s2 =	sld [smem:$0x3FAA]  }
0x29: {  	s4 =	sld [smem:$0x3FAC]  }
0x2a: {  	p0 =	seq.s32 s5, $0x0;
	s5 =	sld [smem:$0x3FAD]  }
0x2b: {  	s6 =	sld [smem:$0x3FAE]  }
0x2c: {  	s7 =	sld [smem:$0x3FAF]  }
0x2d: {  	s3 =	simm.s32 $0x108;
	s8 =	sld [smem:$0x3FB0]  }
0x2e: {  	s3 =	simm.s32 @!p0 $0x1082;
	s9 =	sld [smem:$0x3FB1]  }
0x2f: {  	lr =	sadd.s32 s0, s3;
	s0 =	sld [smem:$0x3FA8]  }
0x30: {  	s3 =	sld [smem:$0x3FAB]  }
0x31: {  	[smem:$0x3FB4] =	sst s10  }
0x32: {  	s10 =	sld [smem:$0x3FB2];
	_ =	sdelay $0x3  }
0x33: {  	p0 =	seq.s32 s10, $0x1;
	s10 =	sld [smem:$0x3FB4];
	_ =	sdelay $0x3  }
0x34: {  	[smem:$0x3FB4] =	sst s10  }
0x35: {  	s10 =	sld [smem:$0x3FB3];
	_ =	sdelay $0x3  }
0x36: {  	p1 =	seq.s32 s10, $0x1;
	s10 =	sld [smem:$0x3FB4];
	_ =	sdelay $0x3  }
0x37: {  	[smem:$0x3FB4] =	sst s10  }
0x38: {  	s10 =	sld [smem:$0x3FB5]  }
0x39: {  	_ = 	snop;
	(pc) =	sbr.ind lr, $3  }
0x3a: {  	_ = 	snop  }
0x3b: {  	_ = 	snop  }
0x3c: {  	p2 =	seq.s32 s10, $0x1;
	s10 =	sld [smem:$0x3FB4]  }
0x3d: {  	_ =	shalt  }
0x3e: {  	_ =	shalt  }
0x3f: {  	_ =	shalt  }
0x40: {  	_ =	shalt  }
0x41: {  	_ =	shalt  }
0x42: {  	_ =	shalt  }
0x43: {  	_ =	shalt  }
0x44: {  	_ =	shalt  }
0x45: {  	_ =	shalt  }
0x46: {  	_ =	shalt  }
0x47: {  	_ =	shalt  }
0x48: {  	_ =	shalt  }
0x49: {  	_ =	shalt  }
0x4a: {  	_ =	shalt  }
0x4b: {  	_ =	shalt  }
0x4c: {  	_ =	shalt  }
0x4d: {  	_ =	shalt  }
0x4e: {  	_ =	shalt  }
0x4f: {  	_ =	shalt  }
0x50: {  	_ =	shalt  }
0x51: {  	_ =	shalt  }
0x52: {  	_ =	shalt  }
0x53: {  	_ =	shalt  }
0x54: {  	_ =	shalt  }
0x55: {  	_ =	shalt  }
0x56: {  	_ =	shalt  }
0x57: {  	_ =	shalt  }
0x58: {  	_ =	shalt  }
0x59: {  	_ =	shalt  }
0x5a: {  	_ =	shalt  }
0x5b: {  	_ =	shalt  }
0x5c: {  	_ =	shalt  }
0x5d: {  	_ =	shalt  }
0x5e: {  	_ =	shalt  }
0x5f: {  	_ =	shalt  }
0x60: {  	_ =	shalt  }
0x61: {  	_ =	shalt  }
0x62: {  	_ =	shalt  }
0x63: {  	_ =	shalt  }
0x64: {  	_ =	shalt  }
0x65: {  	_ =	shalt  }
0x66: {  	_ =	shalt  }
0x67: {  	_ =	shalt  }
0x68: {  	_ =	shalt  }
0x69: {  	_ =	shalt  }
0x6a: {  	_ =	shalt  }
0x6b: {  	_ =	shalt  }
0x6c: {  	_ =	shalt  }
0x6d: {  	_ =	shalt  }
0x6e: {  	_ =	shalt  }
0x6f: {  	_ =	shalt  }
0x70: {  	_ =	shalt  }
0x71: {  	_ =	shalt  }
0x72: {  	_ =	shalt  }
0x73: {  	_ =	shalt  }
0x74: {  	_ =	shalt  }
0x75: {  	_ =	shalt  }
0x76: {  	_ =	shalt  }
0x77: {  	_ =	shalt  }
0x78: {  	_ =	shalt  }
0x79: {  	_ =	shalt  }
0x7a: {  	_ =	shalt  }
0x7b: {  	_ =	shalt  }
0x7c: {  	_ =	shalt  }
0x7d: {  	_ =	shalt  }
0x7e: {  	_ =	shalt  }
0x7f: {  	_ =	shalt  }
0x80: {  	_ =	shalt  }
0x81: {  	_ =	shalt  }
0x82: {  	_ =	shalt  }
0x83: {  	_ =	shalt  }
0x84: {  	_ =	shalt  }
0x85: {  	_ =	shalt  }
0x86: {  	_ =	shalt  }
0x87: {  	_ =	shalt  }
.Lfunc_end0:
.L_simem_size_0:
called_computation.1_lowered:
.L_overlay_start_0:
0x88: {  	s2 =	sld [smem:$0x3FD9]  }
0x89: {  	s3 =	sld [smem:$0x3FFE];
	_ =	sdelay $0x1  }
0x8a: {  	s1 =	srdreg.scid  }
0x8b: {  	s0 =	sand.u32 $0x1, s1  }
0x8c: {  	s17 =	sshll.u32 s0, $0xA;
	s2 =	sadd.s32 s3, s2  }
0x8d: {  	s2 =	sadd.s32 s2, s17  }
0x8e: {  	[smem:$0x3FC0] =	sst s2  }
0x8f: {  	_ = 	snop  }
0x90: {  	s2 =	sld [smem:$0x3FD0];
	(tm) =	ssettm $0x1  }
0x91: {  	s18 =	sld [smem:$0x3FFB];
	_ =	sdelay $0x3  }
0x92: {  	_ =	strace s18  }
0x93: {  	s3 =	sld [smem:$0x3FFC];
	_ =	sdelay $0x3  }
0x94: {  	_ =	strace s3  }
0x95: {  	s3 =	sld [smem:$0x3FFD];
	_ =	sdelay $0x3  }
0x96: {  	_ =	strace s3  }
0x97: {  	_ =	strace $0x8FFFFFFF  }
0x98: {  	s19 =	sld [smem:$0x3FDB];
	_ =	sdelay $0x1  }
0x99: {  	s4 =	simm.s32 $_scs_section_size  }
0x9a: {  	s5 =	simm.s32 $_size__tile_overlayer_lowered;
	s6 =	simm.s32 $_tile_overlayer_lowered  }
0x9b: {  	s22 =	simm.s32 $0x1BFF;
	s21 =	sshll.u32 s6, $0x1;
	s3 =	sadd.s32 s4, s19  }
0x9c: {  	s7 =	simm.s32 $0x0;
	s20 =	sshll.u32 s5, $0x1;
	s5 =	sadd.s32 s21, s3  }
0x9d: {  	[timem:s7], [sflag:s22] =	dma.local [hbm:s5], s20  }
0x9e: {  	_ =	swait.ge [sflag:s22], s20  }
0x9f: {  	s4 =	ssub.s32 $0x0, s20;
	[sflag:s22] =	ssyncset.done $0x0  }
0xa0: {  	[sflag:s22] =	ssyncadd.s32 s4;
	_ =	sdelay $0x1  }
0xa1: {  	s23 =	simm.s32 $0x1B8B  }
0xa2: {  	_ =	swait.ge [sflag:s23], $0x1  }
0xa3: {  	[sflag:s23] =	ssyncset.done $0x0  }
0xa4: {  	s25 =	simm.s32 $0x1B8E;
	s24 =	sld [smem:$0x3FFE];
	[sflag:s23] =	ssyncadd.s32 $0xFFFFFFFF  }
0xa5: {  	s26 =	simm.s32 $execute0_lowered;
	[smem:$0x3FD2] =	sst s25  }
0xa6: {  	s5 =	sshll.u32 s26, $0x1;
	_ =	strace $0x80000049;
	[dreg:$0x1] =	wrdreg $0xFFFFFFFF  }
0xa7: {  	s28 =	simm.s32 $_size_execute0_lowered;
	s3 =	sadd.s32 s3, s5;
	[dreg:$0x0] =	wrdreg $0x0  }
0xa8: {  	s5 =	sshll.u32 s28, $0x1;
	[dreg:$0x2] =	wrdreg s3  }
0xa9: {  	[dreg:$0x3] =	wrdreg s5  }
0xaa: {  	[dreg:$0x4] =	wrdreg $0xC0  }
0xab: {  	_ =	task [dreg:s7], $0x5FFFF  }
0xac: {  	[dreg:$0x1] =	wrdreg $0xFFFFFFFF  }
0xad: {  	[dreg:$0x0] =	wrdreg $0x60  }
0xae: {  	[dreg:$0x2] =	wrdreg s2  }
0xaf: {  	[dreg:$0x3] =	wrdreg s24  }
0xb0: {  	[dreg:$0x4] =	wrdreg $0x90000  }
0xb1: {  	[dreg:$0x5] =	wrdreg $0x9  }
0xb2: {  	_ =	task.clear_ibuf [dreg:s7], $0x6FFFF;
	_ =	strace $0x90000049  }
0xb3: {  	s29 =	simm.s32 $0x9;
	_ =	strace $0x8000004B  }
0xb4: {  	_ =	swait.ge [sflag:s29], $0x1  }
0xb5: {  	[sflag:s29] =	ssyncadd.s32 $0xFFFFFFFF  }
0xb6: {  	_ =	strace $0x9000004B  }
0xb7: {  	_ =	sfence  }
0xb8: {  	s30 =	sld [smem:$0x0];
	_ =	sdelay $0x2  }
0xb9: {  	s31 =	sshll.u32 s1, $0xD;
	s1 =	sshrl.u32 s1, $0x2  }
0xba: {  	s3 =	sand.u32 $0x4000, s31;
	s1 =	sadd.s32 s1, s30  }
0xbb: {  	s0 =	sor.u32 s3, s0;
	s1 =	sshll.u32 s1, $0x11  }
0xbc: {  	s0 =	sor.u32 s1, s0  }
0xbd: {  	s0 =	sadd.s32 $0x8F2B, s0  }
0xbe: {  	[sflag:s0] =	ssyncadd.remote.s32 $0x1  }
0xbf: {  	_ =	sfence.sel $0xFFFF  }
0xc0: {  	[dreg:$0x0] =	wrdreg $0xFFFFFFFF;
	(pc) =	sbr.abs _section_cstart, $3  }
0xc1: {  	[dreg:$0x1] =	wrdreg $0xFFFFFFFF  }
0xc2: {  	_ =	task.clear_ibuf [dreg:s7], $0x2FFFF;
	_ =	strace $0x9FFFFFFF  }
0xc3: {  	(tm) =	ssettm $0x7FFFFFFF  }
tec
execute0_lowered:
.L_overlay_start_1:
0x0: {  	(tag) =	ssettag $0x1  }
0x1: {  	s1 =	rddreg [dreg:$0x0]  }
0x2: {  	s6 =	rddreg [dreg:$0x1]  }
0x3: {  	s0 =	srdreg.scid;
	s3 =	rddreg [dreg:$0x2]  }
0x4: {  	s2 =	rddreg [dreg:$0x3];
	s9 =	sand.u32 $0x1, s0  }
0x5: {  	s4 =	simm.s32 $0x0;
	s0 =	stileid.u32;
	s5 =	smul.u32 $0x28000, s9  }
0x6: {  	s22 =	simm.s32 $0x80;
	s23 =	simm.s32 $0x1;
	s7 =	smul.u32 $0x2800, s0  }
0x7: {  	s24 =	simm.s32 $0x0;
	[smem:$0x7FF] =	sst s4;
	s10 =	smul.u32 $0x50000, s0  }
0x8: {  	s17 =	sadd.s32 $0x15E00, s6;
	s8 =	ssub.s32 $0x2, s9;
	s12 =	smul.u32 $0x14000, s0  }
0x9: {  	_ =	strace $0x8000004A;
	s19 =	smul.u32 $0x140000, s9;
	s30 =	sshrl.u32 s8, $0x1  }
0xa: {  	s5 =	sadd.s32 s7, s5;
	s18 =	ssub.s32 s8, s30;
	s31 =	sshrl.u32 s10, $0x2  }
0xb: {  	s13 =	sadd.s32 $0x4000, s12;
	s15 =	sadd.s32 $0x8000, s12;
	s16 =	sadd.s32 $0xC000, s12  }
0xc: {  	s20 =	sadd.s32 $0x10000, s12;
	s14 =	sadd.s32 s12, s19;
	s5 =	sshrl.u32 s5, $0x3  }
0xd: {  	s8 =	sadd.s32 s31, s3;
	s9 =	sadd.s32 s13, s3;
	s10 =	sadd.s32 s15, s3  }
0xe: {  	s11 =	sadd.s32 s16, s3;
	s13 =	sadd.s32 s19, s13;
	s12 =	sadd.s32 s20, s3  }
0xf: {  	s14 =	sshrl.u32 s14, $0x3;
	s15 =	sadd.s32 s19, s15;
	s16 =	sadd.s32 s19, s16  }
0x10: {  	s19 =	sadd.s32 s19, s20;
	s18 =	smax.u32 s18, $0x1;
	s20 =	simm.s32 $0x2800  }
0x11: {  	s29 =	sadd.s32 s5, s6;
	s5 =	sadd.s32 $0x1000, s6;
	s21 =	sshrl.u32 s13, $0x3  }
0x12: {  	s13 =	sadd.s32 s17, s14;
	s15 =	sshrl.u32 s15, $0x3;
	s16 =	sshrl.u32 s16, $0x3  }
0x13: {  	s19 =	sshrl.u32 s19, $0x3;
	s6 =	sadd.s32 $0x1E00, s29;
	s7 =	sadd.s32 $0xBE00, s29  }
0x14: {  	s14 =	sadd.s32 s17, s21;
	s15 =	sadd.s32 s17, s15;
	s16 =	sadd.s32 s17, s16  }
0x15: {  	s17 =	sadd.s32 s17, s19;
	s19 =	simm.s32 $0x2;
	s21 =	simm.s32 $0x5000  }
.LBB2_1:
0x16: {  	[tilespmem:s4], [sflag:$0x2] =	stream.linear.gather [hbm4b:s6+s4], $0x2780, $0x38;
	[tilespmem:$0x1D000] =	vst v63  }
0x17: {  	_ =	swait.ge [sflag:s19], $0x2780  }
0x18: {  	[sflag:s19] =	ssyncset.done $0x0  }
0x19: {  	[sflag:s19] =	ssyncadd.s32 $0xFFFFD880  }
0x1a: {  	[tilespmem:s20], [sflag:$0x2] =	stream.linear.gather [hbm4b:s7+s4], $0x2780, $0x38;
	[tilespmem:$0x1D000] =	vst v63  }
0x1b: {  	_ =	swait.ge [sflag:s19], $0x2780  }
0x1c: {  	[sflag:s19] =	ssyncset.done $0x0  }
0x1d: {  	[sflag:s19] =	ssyncadd.s32 $0xFFFFD880  }
0x1e: {  	[tilespmem:s21], [sflag:$0x2] =	stream.linear.gather [hbm4b:s5+s4], $0x4000, $0x38;
	[tilespmem:$0x1D000] =	vst v63  }
0x1f: {  	_ =	swait.ge [sflag:s19], $0x4000  }
0x20: {  	[sflag:s19] =	ssyncset.done $0x0  }
0x21: {  	[sflag:s19] =	ssyncadd.s32 $0xFFFFC000  }
0x22: {  	[spmem:s8] =	stream.linear.scatter [tilespmem:s21], [sflag:$0x2], $0x4000, $0x38;
	[tilespmem:$0x1D000] =	vst v63  }
0x23: {  	_ =	swait.ge [sflag:s19], $0x4000  }
0x24: {  	[sflag:s19] =	ssyncset.done $0x0  }
0x25: {  	[sflag:s19] =	ssyncadd.s32 $0xFFFFC000  }
0x26: {  	[spmem:s9] =	stream.linear.scatter [tilespmem:s21], [sflag:$0x2], $0x4000, $0x38;
	[tilespmem:$0x1D000] =	vst v63  }
0x27: {  	_ =	swait.ge [sflag:s19], $0x4000  }
0x28: {  	[sflag:s19] =	ssyncset.done $0x0  }
0x29: {  	[sflag:s19] =	ssyncadd.s32 $0xFFFFC000  }
0x2a: {  	[spmem:s10] =	stream.linear.scatter [tilespmem:s21], [sflag:$0x2], $0x4000, $0x38;
	[tilespmem:$0x1D000] =	vst v63  }
0x2b: {  	_ =	swait.ge [sflag:s19], $0x4000  }
0x2c: {  	[sflag:s19] =	ssyncset.done $0x0  }
0x2d: {  	[sflag:s19] =	ssyncadd.s32 $0xFFFFC000  }
0x2e: {  	[spmem:s11] =	stream.linear.scatter [tilespmem:s21], [sflag:$0x2], $0x4000, $0x38;
	[tilespmem:$0x1D000] =	vst v63  }
0x2f: {  	_ =	swait.ge [sflag:s19], $0x4000  }
0x30: {  	[sflag:s19] =	ssyncset.done $0x0  }
0x31: {  	[sflag:s19] =	ssyncadd.s32 $0xFFFFC000  }
0x32: {  	[spmem:s12] =	stream.linear.scatter [tilespmem:s21], [sflag:$0x2], $0x4000, $0x38;
	[tilespmem:$0x1D000] =	vst v63  }
0x33: {  	_ =	swait.ge [sflag:s19], $0x4000  }
0x34: {  	[sflag:s19] =	ssyncset.done $0x0  }
0x35: {  	[sflag:s19] =	ssyncadd.s32 $0xFFFFC000  }
0x36: {  	s25 =	simm.s32 $0x0;
	[bflag:$0x0] =	sbarrier.arrive $0xFFFF  }
0x37: {  	[tilespmem:s21], [sflag:$0x1] =	stream.indirect.gather [hbm4b:s1+s22], $0x80, s25, s22, $0xb8;
	[tilespmem:$0x1D000] =	vst v63  }
0x38: {  	_ =	swait.ge [sflag:s23], $0x4000  }
0x39: {  	[sflag:s23] =	ssyncset.done $0x0  }
0x3a: {  	s31 =	simm.s32 $0x2800;
	[sflag:s23] =	ssyncadd.s32 $0xFFFFC000  }
0x3b: {  	[spmem:s3] =	stream.indirect.scatter.add.f32 [tilespmem:s21], [sflag:$0x2], $0x80, s31, s22, $0xb8;
	[tilespmem:$0x1D000] =	vst v63  }
0x3c: {  	_ =	swait.ge [sflag:s19], $0x4000  }
0x3d: {  	s26 =	simm.s32 $0x400;
	s25 =	simm.s32 $0x200;
	[sflag:s19] =	ssyncset.done $0x0  }
.LBB2_2:
0x3e: {  	s28 =	sshra.s32 s25, $0x2  }
0x3f: {  	[sflag:s19] =	ssyncadd.s32 $0xFFFFC000;
	s25 =	smov.u32 s26;
	s29 =	sadd.s32 $0x200, s26  }
0x40: {  	[tilespmem:s21], [sflag:$0x1] =	stream.indirect.gather [hbm4b:s1+s22], $0x80, s28, s22, $0xb8;
	[tilespmem:$0x1D000] =	vst v63  }
0x41: {  	p0 =	sne.s32 s26, $0x9C00;
	_ =	swait.ge [sflag:s23], $0x4000  }
.Ltmp0:
0x42: {  	[sflag:s23] =	ssyncset.done $0x0;
	(pc) =	sbr.rel @p0 .LBB2_2-.Ltmp0, $4  }
0x43: {  	s26 =	sadd.s32 $0x2800, s28;
	[sflag:s23] =	ssyncadd.s32 $0xFFFFC000  }
0x44: {  	[spmem:s3] =	stream.indirect.scatter.add.f32 [tilespmem:s21], [sflag:$0x2], $0x80, s26, s22, $0xb8;
	[tilespmem:$0x1D000] =	vst v63  }
0x45: {  	_ =	swait.ge [sflag:s19], $0x4000  }
0x46: {  	s26 =	smov.u32 s29;
	[sflag:s19] =	ssyncset.done $0x0  }
0x47: {  	s25 =	sshra.s32 s25, $0x2;
	[sflag:s19] =	ssyncadd.s32 $0xFFFFC000  }
0x48: {  	[tilespmem:s21], [sflag:$0x1] =	stream.indirect.gather [hbm4b:s1+s22], $0x80, s25, s22, $0xb8;
	[tilespmem:$0x1D000] =	vst v63  }
0x49: {  	_ =	swait.ge [sflag:s23], $0x4000  }
0x4a: {  	[sflag:s23] =	ssyncset.done $0x0  }
0x4b: {  	s25 =	sadd.s32 $0x2800, s25;
	[sflag:s23] =	ssyncadd.s32 $0xFFFFC000  }
0x4c: {  	[spmem:s3] =	stream.indirect.scatter.add.f32 [tilespmem:s21], [sflag:$0x2], $0x80, s25, s22, $0xb8;
	[tilespmem:$0x1D000] =	vst v63  }
0x4d: {  	_ =	swait.ge [sflag:s19], $0x4000  }
0x4e: {  	[sflag:s19] =	ssyncset.done $0x0  }
0x4f: {  	[sflag:s19] =	ssyncadd.s32 $0xFFFFC000  }
0x50: {  	[bflag:$0x0] =	sbarrier.arrive $0xFFFF  }
0x51: {  	[tilespmem:s21], [sflag:$0x2] =	stream.linear.gather [spmem:s8], $0x4000, $0x38;
	[tilespmem:$0x1D000] =	vst v63  }
0x52: {  	_ =	swait.ge [sflag:s19], $0x4000  }
0x53: {  	[sflag:s19] =	ssyncset.done $0x0  }
0x54: {  	[sflag:s19] =	ssyncadd.s32 $0xFFFFC000  }
0x55: {  	[hbm4b:s13+s4] =	stream.linear.scatter [tilespmem:s21], [sflag:$0x2], $0x4000, $0x38;
	[tilespmem:$0x1D000] =	vst v63  }
0x56: {  	_ =	swait.ge [sflag:s19], $0x4000  }
0x57: {  	[sflag:s19] =	ssyncset.done $0x0  }
0x58: {  	[sflag:s19] =	ssyncadd.s32 $0xFFFFC000  }
0x59: {  	[tilespmem:s21], [sflag:$0x2] =	stream.linear.gather [spmem:s9], $0x4000, $0x38;
	[tilespmem:$0x1D000] =	vst v63  }
0x5a: {  	_ =	swait.ge [sflag:s19], $0x4000  }
0x5b: {  	[sflag:s19] =	ssyncset.done $0x0  }
0x5c: {  	[sflag:s19] =	ssyncadd.s32 $0xFFFFC000  }
0x5d: {  	[hbm4b:s14+s4] =	stream.linear.scatter [tilespmem:s21], [sflag:$0x2], $0x4000, $0x38;
	[tilespmem:$0x1D000] =	vst v63  }
0x5e: {  	_ =	swait.ge [sflag:s19], $0x4000  }
0x5f: {  	[sflag:s19] =	ssyncset.done $0x0  }
0x60: {  	[sflag:s19] =	ssyncadd.s32 $0xFFFFC000  }
0x61: {  	[tilespmem:s21], [sflag:$0x2] =	stream.linear.gather [spmem:s10], $0x4000, $0x38;
	[tilespmem:$0x1D000] =	vst v63  }
0x62: {  	_ =	swait.ge [sflag:s19], $0x4000  }
0x63: {  	[sflag:s19] =	ssyncset.done $0x0  }
0x64: {  	[sflag:s19] =	ssyncadd.s32 $0xFFFFC000  }
0x65: {  	[hbm4b:s15+s4] =	stream.linear.scatter [tilespmem:s21], [sflag:$0x2], $0x4000, $0x38;
	[tilespmem:$0x1D000] =	vst v63  }
0x66: {  	_ =	swait.ge [sflag:s19], $0x4000  }
0x67: {  	[sflag:s19] =	ssyncset.done $0x0  }
0x68: {  	[sflag:s19] =	ssyncadd.s32 $0xFFFFC000  }
0x69: {  	[tilespmem:s21], [sflag:$0x2] =	stream.linear.gather [spmem:s11], $0x4000, $0x38;
	[tilespmem:$0x1D000] =	vst v63  }
0x6a: {  	_ =	swait.ge [sflag:s19], $0x4000  }
0x6b: {  	[sflag:s19] =	ssyncset.done $0x0  }
0x6c: {  	[sflag:s19] =	ssyncadd.s32 $0xFFFFC000  }
0x6d: {  	[hbm4b:s16+s4] =	stream.linear.scatter [tilespmem:s21], [sflag:$0x2], $0x4000, $0x38;
	[tilespmem:$0x1D000] =	vst v63  }
0x6e: {  	_ =	swait.ge [sflag:s19], $0x4000  }
0x6f: {  	[sflag:s19] =	ssyncset.done $0x0  }
0x70: {  	[sflag:s19] =	ssyncadd.s32 $0xFFFFC000  }
0x71: {  	[tilespmem:s21], [sflag:$0x2] =	stream.linear.gather [spmem:s12], $0x4000, $0x38;
	[tilespmem:$0x1D000] =	vst v63  }
0x72: {  	s24 =	sadd.s32 $0x1, s24;
	_ =	swait.ge [sflag:s19], $0x4000  }
0x73: {  	p0 =	sne.s32 s24, s18;
	[sflag:s19] =	ssyncset.done $0x0  }
.Ltmp1:
0x74: {  	[sflag:s19] =	ssyncadd.s32 $0xFFFFC000;
	(pc) =	sbr.rel @p0 .LBB2_1-.Ltmp1, $4  }
0x75: {  	[hbm4b:s17+s4] =	stream.linear.scatter [tilespmem:s21], [sflag:$0x2], $0x4000, $0x38;
	[tilespmem:$0x1D000] =	vst v63  }
0x76: {  	_ =	swait.ge [sflag:s19], $0x4000  }
0x77: {  	[sflag:s19] =	ssyncset.done $0x0  }
0x78: {  	[sflag:s19] =	ssyncadd.s32 $0xFFFFC000  }
0x79: {  	_ =	sfence.sel $0x180000  }
0x7a: {  	[bflag:$0x0] =	sbarrier.arrive $0xFFFF  }
0x7b: {  	p0 =	sne.s32 s0, $0x0;
	_ =	strace $0x9000004A  }
0x7c: {  	s0 =	sadd.s32 @!p0 $0x100000, s2;
	[bflag:$0x2] =	sbarrier.arrive $0xFFFF  }
0x7d: {  	[sflag:s0] =	ssyncadd.tile.s32 @!p0 $0x1;
	_ =	shalt  }
.Lfunc_end2:
_tile_overlayer_lowered:
.L_overlay_start_2:
0x7e: {  	(tag) =	ssettag $0x2  }
0x7f: {  	s0 =	rddreg [dreg:$0x0];
	s2 =	stileid.u32  }
0x80: {  	s1 =	rddreg [dreg:$0x1];
	p0 =	sne.s32 s2, $0x0  }
0x81: {  	s3 =	rddreg [dreg:$0x2];
	[bflag:$0x3] =	sbarrier.arrive $0xFFFF;
	s2 =	simm.s32 @!p0 $0x1C02  }
0x82: {  	[timem:s3], [sflag:s2] =	dma.local @!p0 [hbm:s0], s1  }
0x83: {  	s0 =	simm.s32 @!p0 $0x2  }
0x84: {  	_ =	swait.ge @!p0 [sflag:s0], s1  }
0x85: {  	s1 =	ssub.s32 @!p0 $0x0, s1;
	[sflag:s0] =	ssyncset.done @!p0 $0x0  }
0x86: {  	[sflag:s0] =	ssyncadd.s32 @!p0 s1  }
0x87: {  	[bflag:$0x3] =	sbarrier.arrive $0xFFFF  }
0x88: {  	_ =	shalt  }

</sc_bundles>
